<compile_context>
chip_gen: v7x
topology: tpu7x:2x2x1
jax: 0.10.2.dev20260603
libtpu: 0.0.44.dev20260713+nightly
codegen_flags: <defaults>
</compile_context>

<pallas_src>
import functools

import jax
import jax.numpy as jnp
from jax import lax
from jax.experimental import pallas as pl
from jax.experimental.pallas import tpu as pltpu
from jax.experimental.pallas import tpu_sc as plsc

M, N = 128, 32768
NTOT = M * N
K = (NTOT * 10) // 100

NB = 32768
SH = 17
NW = 32
CH = 16384

_MESH = plsc.VectorSubcoreMesh(core_axis_name="c", subcore_axis_name="s")
_SC_PARAMS = pltpu.CompilerParams(needs_layout_passes=False)


def _loss_body(x_ref, t_ref, o_ref):
    x = x_ref[...]
    t = t_ref[...]
    o_ref[...] = (1.0 - t) * x + (
        jnp.log1p(jnp.exp(-jnp.abs(x))) + jnp.maximum(-x, 0.0)
    )


def _compute_loss(pred, tgt):
    blk = 4096
    return pl.pallas_call(
        _loss_body,
        grid=(N // blk,),
        in_specs=[
            pl.BlockSpec((M, blk), lambda i: (0, i)),
            pl.BlockSpec((M, blk), lambda i: (0, i)),
        ],
        out_specs=pl.BlockSpec((M, blk), lambda i: (0, i)),
        out_shape=jax.ShapeDtypeStruct((M, N), jnp.float32),
    )(pred, tgt)


def _stream(chunks, buf0, buf1, sem0, sem1, process):
    for i, ch in enumerate(chunks):
        b, s = (buf0, sem0) if i % 2 == 0 else (buf1, sem1)
        if i + 1 < len(chunks):
            nb, ns = (buf1, sem1) if i % 2 == 0 else (buf0, sem0)
            pltpu.async_copy(chunks[i + 1], nb, ns)
        pltpu.make_async_copy(chunks[0], b, s).wait()
        process(b)


@functools.partial(
    pl.kernel,
    out_type=(
        jax.ShapeDtypeStruct((NW, NB), jnp.int32),
        jax.ShapeDtypeStruct((NW, NB), jnp.float32),
    ),
    mesh=_MESH,
    compiler_params=_SC_PARAMS,
    scratch_types=[
        pltpu.VMEM((CH,), jnp.float32),
        pltpu.VMEM((CH,), jnp.float32),
        pltpu.VMEM((NB,), jnp.int32),
        pltpu.VMEM((NB,), jnp.float32),
        pltpu.SemaphoreType.DMA,
        pltpu.SemaphoreType.DMA,
    ],
)
def _sc_histsum(loss_hbm, cnt_out, sum_out, buf0, buf1, cnt, sm, sem0, sem1):
    wid = lax.axis_index("s") * 2 + lax.axis_index("c")
    row0 = wid * (M // NW)
    chunks = [loss_hbm.at[row0 + r, pl.ds(h * CH, CH)]
              for r in range(M // NW) for h in range(N // CH)]
    pltpu.async_copy(chunks[0], buf0, sem0)
    zi = jnp.zeros((16,), jnp.int32)
    zf = jnp.zeros((16,), jnp.float32)

    @plsc.parallel_loop(0, NB // 16, unroll=8)
    def _(i):
        cnt[pl.ds(i * 16, 16)] = zi
        sm[pl.ds(i * 16, 16)] = zf

    ones = jnp.ones((16,), jnp.int32)
    sh = jnp.full((16,), SH, jnp.int32)

    def process(buf):
        @plsc.parallel_loop(0, CH // 16, unroll=16)
        def _(j):
            v = buf[pl.ds(j * 16, 16)]
            u = plsc.bitcast(v, jnp.int32)
            key = jnp.right_shift(u, sh)
            plsc.addupdate_scatter(cnt, [key], ones)
            plsc.addupdate_scatter(sm, [key], v)

    _stream(chunks, buf0, buf1, sem0, sem1, process)
    pltpu.async_copy(cnt, cnt_out.at[wid], sem0)
    pltpu.async_copy(sm, sum_out.at[wid], sem1)
    pltpu.make_async_copy(cnt, cnt_out.at[wid], sem0).wait()
    pltpu.make_async_copy(sm, sum_out.at[wid], sem1).wait()


def _finalize_body(cnt_ref, sum_ref, out_ref):
    cnt = jnp.sum(cnt_ref[...], axis=0)
    sm = jnp.sum(sum_ref[...], axis=0)
    idx = lax.broadcasted_iota(jnp.int32, (NB,), 0)

    def srch(_, lohi):
        lo, hi = lohi
        mid = (lo + hi) // 2
        s = jnp.sum(jnp.where(idx >= mid, cnt, 0))
        big = s >= K
        return jnp.where(big, mid, lo), jnp.where(big, hi, mid)

    bstar, _ = lax.fori_loop(0, 15, srch, (jnp.int32(0), jnp.int32(NB)))
    cgt = jnp.sum(jnp.where(idx > bstar, cnt, 0))
    sum_gt = jnp.sum(jnp.where(idx > bstar, sm, 0.0))
    nb = jnp.sum(jnp.where(idx == bstar, cnt, 0)).astype(jnp.float32)
    r = (K - cgt).astype(jnp.float32)
    lo_arr = lax.bitcast_convert_type(
        jnp.full((1, 1), 0, jnp.int32) + jnp.left_shift(bstar, SH),
        jnp.float32)
    hi_arr = lax.bitcast_convert_type(
        jnp.full((1, 1), 0, jnp.int32) + jnp.left_shift(bstar + 1, SH),
        jnp.float32)
    est = hi_arr - (r / (2.0 * nb)) * (hi_arr - lo_arr)
    out_ref[...] = (sum_gt + r * est) * jnp.float32(1.0 / K)


def _finalize(cnt, sm):
    return pl.pallas_call(
        _finalize_body,
        out_shape=jax.ShapeDtypeStruct((1, 1), jnp.float32),
    )(cnt, sm)


@jax.jit
def kernel(prediction, target):
    loss = _compute_loss(prediction, target)
    cnt, sm = _sc_histsum(loss)
    out = _finalize(cnt, sm)
    return out[0, 0]

# --- scband reference (transcript-rebuilt; emitter-appended) ---
"""Pipeline reference for scband-top-k-64484638982222 (READ-ONLY COPY).

The authoritative reference and input builder live on the scoring server;
editing this copy changes nothing except your own understanding.
"""

import jax, jax.numpy as jnp
import numpy as np

POS_WEIGHT = 1.0
K_PERCENT = 10

def setup_inputs(seed: int = 0) -> dict:
    key = jax.random.key(seed)
    k1, k2 = jax.random.split(key)
    prediction = jax.random.normal(k1, (128, 32768), dtype=jnp.float32)
    target = jax.random.uniform(k2, (128, 32768), dtype=jnp.float32)
    return {"prediction": prediction, "target": target}

def reference(prediction, target):
    # binary_cross_entropy_with_logits with pos_weight, reduction='none'
    # stable form (matches torch): (1-t)*x + log_weight*(log1p(exp(-|x|)) + max(-x, 0))
    log_weight = 1.0 + (POS_WEIGHT - 1.0) * target
    loss = (1.0 - target) * prediction + log_weight * (
        jnp.log1p(jnp.exp(-jnp.abs(prediction))) + jnp.maximum(-prediction, 0.0)
    )
    n = loss.size
    kk = int(n * K_PERCENT) // 100
    top_vals, _ = jax.lax.top_k(loss.reshape(-1), kk)
    return top_vals.mean()

if __name__ == "__main__":
    import jax
    _d = setup_inputs()
    print(jax.jit(kernel)(*tuple(_d.values())))

</pallas_src>

<mosaic_0001>
#map = affine_map<(d0, d1) -> (0, 0)>
module attributes {stable_mosaic.version = 14 : i64} {
  func.func @_sc_histsum(%arg0: i32, %arg1: i32, %arg2: memref<128x32768xf32, #tpu.memory_space<hbm>>, %arg3: memref<32x32768xi32, #tpu.memory_space<hbm>>, %arg4: memref<32x32768xf32, #tpu.memory_space<hbm>>, %arg5: memref<16384xf32, #tpu.memory_space<vmem>>, %arg6: memref<16384xf32, #tpu.memory_space<vmem>>, %arg7: memref<32768xi32, #tpu.memory_space<vmem>>, %arg8: memref<32768xf32, #tpu.memory_space<vmem>>, %arg9: memref<!tpu.dma_semaphore, #tpu.memory_space<semaphore_mem>>, %arg10: memref<!tpu.dma_semaphore, #tpu.memory_space<semaphore_mem>>) attributes {dimension_semantics = [#tpu.dimension_semantics<core_parallel>, #tpu.dimension_semantics<subcore_parallel>], iteration_bounds = array<i64: 2, 16>, scalar_prefetch = 0 : i64, scratch_operands = 6 : i64, tpu.core_type = #tpu.core_type<sc_vector_subcore>, window_params = [{transform_indices = #map}, {transform_indices = #map}, {transform_indices = #map}]} {
    %mul3A = arith.constant 2 : i32
    %mul3A_0 = arith.muli %arg1, %mul3A : i32
    %add3A = arith.addi %mul3A_0, %arg0 : i32
    %mul3A_1 = arith.constant 4 : i32
    %mul3A_2 = arith.muli %add3A, %mul3A_1 : i32
    %add3A_3 = arith.constant 0 : i32
    %add3A_4 = arith.addi %mul3A_2, %add3A_3 : i32
    %add3A_5 = arith.constant 0 : i32
    %add3A_6 = arith.addi %mul3A_2, %add3A_5 : i32
    %add3A_7 = arith.constant 1 : i32
    %add3A_8 = arith.addi %mul3A_2, %add3A_7 : i32
    %add3A_9 = arith.constant 1 : i32
    %add3A_10 = arith.addi %mul3A_2, %add3A_9 : i32
    %add3A_11 = arith.constant 2 : i32
    %add3A_12 = arith.addi %mul3A_2, %add3A_11 : i32
    %add3A_13 = arith.constant 2 : i32
    %add3A_14 = arith.addi %mul3A_2, %add3A_13 : i32
    %add3A_15 = arith.constant 3 : i32
    %add3A_16 = arith.addi %mul3A_2, %add3A_15 : i32
    %add3A_17 = arith.constant 3 : i32
    %add3A_18 = arith.addi %mul3A_2, %add3A_17 : i32
    %dma_start3A = arith.constant 0 : i32
    %dma_start3A_19 = tpu.memref_slice %arg2[%add3A_4, %dma_start3A] : memref<128x32768xf32, #tpu.memory_space<hbm>> -> memref<1x16384xf32, #tpu.memory_space<hbm>>
    %dma_start3A_20 = tpu.memref_squeeze %dma_start3A_19 : memref<1x16384xf32, #tpu.memory_space<hbm>> -> memref<16384xf32, #tpu.memory_space<hbm>>
    %dma_start3A_21 = arith.constant 0 : i32
    %dma_start3A_22 = tpu.memref_slice %arg2[%add3A_4, %dma_start3A_21] : memref<128x32768xf32, #tpu.memory_space<hbm>> -> memref<1x16384xf32, #tpu.memory_space<hbm>>
    %dma_start3A_23 = tpu.memref_squeeze %dma_start3A_22 : memref<1x16384xf32, #tpu.memory_space<hbm>> -> memref<16384xf32, #tpu.memory_space<hbm>>
    tpu.enqueue_dma source(%dma_start3A_23 : memref<16384xf32, #tpu.memory_space<hbm>>) target(%arg5 : memref<16384xf32, #tpu.memory_space<vmem>>) target_semaphore(%arg9 : memref<!tpu.dma_semaphore, #tpu.memory_space<semaphore_mem>>)
    %broadcast_in_dim3A = arith.constant 0 : i32
    %broadcast_in_dim3A_24 = vector.broadcast %broadcast_in_dim3A : i32 to vector<16xi32>
    %broadcast_in_dim3A_25 = arith.constant 0.000000e+00 : f32
    %broadcast_in_dim3A_26 = vector.broadcast %broadcast_in_dim3A_25 : f32 to vector<16xf32>
    %parallel_loop3A = arith.constant 0 : i32
    %parallel_loop3A_27 = arith.constant 2048 : i32
    %parallel_loop3A_28 = arith.constant 1 : i32
    scf.for %parallel_loop3A_170 = %parallel_loop3A to %parallel_loop3A_27 step %parallel_loop3A_28  : i32 {
      %parallel_loop3A_171 = arith.constant 16 : i32
      %parallel_loop3A_172 = arith.muli %parallel_loop3A_170, %parallel_loop3A_171 : i32
      %parallel_loop3A_173 = arith.index_cast %parallel_loop3A_172 : i32 to index
      %parallel_loop3A_174 = tpu.vector_load %arg7[%parallel_loop3A_173] {strides = array<i32>} : memref<32768xi32, #tpu.memory_space<vmem>>, vector<16xi32>,
      tpu.vector_store %arg7[%parallel_loop3A_173], %broadcast_in_dim3A_24 {strides = array<i32>} : memref<32768xi32, #tpu.memory_space<vmem>>, vector<16xi32>,
      %parallel_loop3A_175 = arith.constant 16 : i32
      %parallel_loop3A_176 = arith.muli %parallel_loop3A_170, %parallel_loop3A_175 : i32
      %parallel_loop3A_177 = arith.index_cast %parallel_loop3A_176 : i32 to index
      %parallel_loop3A_178 = tpu.vector_load %arg8[%parallel_loop3A_177] {strides = array<i32>} : memref<32768xf32, #tpu.memory_space<vmem>>, vector<16xf32>,
      tpu.vector_store %arg8[%parallel_loop3A_177], %broadcast_in_dim3A_26 {strides = array<i32>} : memref<32768xf32, #tpu.memory_space<vmem>>, vector<16xf32>,
    } {sc.loop_unroll_factor = 8 : i64, sc.parallel_access}
    %broadcast_in_dim3A_29 = arith.constant 1 : i32
    %broadcast_in_dim3A_30 = vector.broadcast %broadcast_in_dim3A_29 : i32 to vector<16xi32>
    %broadcast_in_dim3A_31 = arith.constant 17 : i32
    %broadcast_in_dim3A_32 = vector.broadcast %broadcast_in_dim3A_31 : i32 to vector<16xi32>
    %dma_start3A_33 = arith.constant 16384 : i32
    %dma_start3A_34 = tpu.memref_slice %arg2[%add3A_6, %dma_start3A_33] : memref<128x32768xf32, #tpu.memory_space<hbm>> -> memref<1x16384xf32, #tpu.memory_space<hbm>>
    %dma_start3A_35 = tpu.memref_squeeze %dma_start3A_34 : memref<1x16384xf32, #tpu.memory_space<hbm>> -> memref<16384xf32, #tpu.memory_space<hbm>>
    %dma_start3A_36 = arith.constant 16384 : i32
    %dma_start3A_37 = tpu.memref_slice %arg2[%add3A_6, %dma_start3A_36] : memref<128x32768xf32, #tpu.memory_space<hbm>> -> memref<1x16384xf32, #tpu.memory_space<hbm>>
    %dma_start3A_38 = tpu.memref_squeeze %dma_start3A_37 : memref<1x16384xf32, #tpu.memory_space<hbm>> -> memref<16384xf32, #tpu.memory_space<hbm>>
    tpu.enqueue_dma source(%dma_start3A_38 : memref<16384xf32, #tpu.memory_space<hbm>>) target(%arg6 : memref<16384xf32, #tpu.memory_space<vmem>>) target_semaphore(%arg10 : memref<!tpu.dma_semaphore, #tpu.memory_space<semaphore_mem>>)
    %dma_wait3A = arith.constant 0 : i32
    %dma_wait3A_39 = tpu.memref_slice %arg2[%add3A_4, %dma_wait3A] : memref<128x32768xf32, #tpu.memory_space<hbm>> -> memref<1x16384xf32, #tpu.memory_space<hbm>>
    %dma_wait3A_40 = tpu.memref_squeeze %dma_wait3A_39 : memref<1x16384xf32, #tpu.memory_space<hbm>> -> memref<16384xf32, #tpu.memory_space<hbm>>
    %dma_wait3A_41 = arith.constant 0 : i32
    %dma_wait3A_42 = tpu.memref_slice %arg2[%add3A_4, %dma_wait3A_41] : memref<128x32768xf32, #tpu.memory_space<hbm>> -> memref<1x16384xf32, #tpu.memory_space<hbm>>
    %dma_wait3A_43 = tpu.memref_squeeze %dma_wait3A_42 : memref<1x16384xf32, #tpu.memory_space<hbm>> -> memref<16384xf32, #tpu.memory_space<hbm>>
    tpu.wait_dma2 semaphore(%arg9 : memref<!tpu.dma_semaphore, #tpu.memory_space<semaphore_mem>>) src(%dma_wait3A_43 : memref<16384xf32, #tpu.memory_space<hbm>>) dst(%arg5 : memref<16384xf32, #tpu.memory_space<vmem>>)
    %parallel_loop3A_44 = arith.constant 0 : i32
    %parallel_loop3A_45 = arith.constant 1024 : i32
    %parallel_loop3A_46 = arith.constant 1 : i32
    scf.for %parallel_loop3A_170 = %parallel_loop3A_44 to %parallel_loop3A_45 step %parallel_loop3A_46  : i32 {
      %parallel_loop3A_171 = arith.constant 16 : i32
      %parallel_loop3A_172 = arith.muli %parallel_loop3A_170, %parallel_loop3A_171 : i32
      %parallel_loop3A_173 = arith.index_cast %parallel_loop3A_172 : i32 to index
      %parallel_loop3A_174 = tpu.vector_load %arg5[%parallel_loop3A_173] {strides = array<i32>} : memref<16384xf32, #tpu.memory_space<vmem>>, vector<16xf32>,
      %parallel_loop3A_175 = vector.bitcast %parallel_loop3A_174 : vector<16xf32> to vector<16xi32>
      %parallel_loop3A_176 = arith.shrsi %parallel_loop3A_175, %broadcast_in_dim3A_32 : vector<16xi32>
      tpu.vector_store_idx %arg7[%parallel_loop3A_176], %broadcast_in_dim3A_30 {add = true} : memref<32768xi32, #tpu.memory_space<vmem>>[vector<16xi32>], vector<16xi32>,
      tpu.vector_store_idx %arg8[%parallel_loop3A_176], %parallel_loop3A_174 {add = true} : memref<32768xf32, #tpu.memory_space<vmem>>[vector<16xi32>], vector<16xf32>,
    } {sc.loop_unroll_factor = 16 : i64, sc.parallel_access}
    %dma_start3A_47 = arith.constant 0 : i32
    %dma_start3A_48 = tpu.memref_slice %arg2[%add3A_8, %dma_start3A_47] : memref<128x32768xf32, #tpu.memory_space<hbm>> -> memref<1x16384xf32, #tpu.memory_space<hbm>>
    %dma_start3A_49 = tpu.memref_squeeze %dma_start3A_48 : memref<1x16384xf32, #tpu.memory_space<hbm>> -> memref<16384xf32, #tpu.memory_space<hbm>>
    %dma_start3A_50 = arith.constant 0 : i32
    %dma_start3A_51 = tpu.memref_slice %arg2[%add3A_8, %dma_start3A_50] : memref<128x32768xf32, #tpu.memory_space<hbm>> -> memref<1x16384xf32, #tpu.memory_space<hbm>>
    %dma_start3A_52 = tpu.memref_squeeze %dma_start3A_51 : memref<1x16384xf32, #tpu.memory_space<hbm>> -> memref<16384xf32, #tpu.memory_space<hbm>>
    tpu.enqueue_dma source(%dma_start3A_52 : memref<16384xf32, #tpu.memory_space<hbm>>) target(%arg5 : memref<16384xf32, #tpu.memory_space<vmem>>) target_semaphore(%arg9 : memref<!tpu.dma_semaphore, #tpu.memory_space<semaphore_mem>>)
    %dma_wait3A_53 = arith.constant 0 : i32
    %dma_wait3A_54 = tpu.memref_slice %arg2[%add3A_4, %dma_wait3A_53] : memref<128x32768xf32, #tpu.memory_space<hbm>> -> memref<1x16384xf32, #tpu.memory_space<hbm>>
    %dma_wait3A_55 = tpu.memref_squeeze %dma_wait3A_54 : memref<1x16384xf32, #tpu.memory_space<hbm>> -> memref<16384xf32, #tpu.memory_space<hbm>>
    %dma_wait3A_56 = arith.constant 0 : i32
    %dma_wait3A_57 = tpu.memref_slice %arg2[%add3A_4, %dma_wait3A_56] : memref<128x32768xf32, #tpu.memory_space<hbm>> -> memref<1x16384xf32, #tpu.memory_space<hbm>>
    %dma_wait3A_58 = tpu.memref_squeeze %dma_wait3A_57 : memref<1x16384xf32, #tpu.memory_space<hbm>> -> memref<16384xf32, #tpu.memory_space<hbm>>
    tpu.wait_dma2 semaphore(%arg10 : memref<!tpu.dma_semaphore, #tpu.memory_space<semaphore_mem>>) src(%dma_wait3A_58 : memref<16384xf32, #tpu.memory_space<hbm>>) dst(%arg6 : memref<16384xf32, #tpu.memory_space<vmem>>)
    %parallel_loop3A_59 = arith.constant 0 : i32
    %parallel_loop3A_60 = arith.constant 1024 : i32
    %parallel_loop3A_61 = arith.constant 1 : i32
    scf.for %parallel_loop3A_170 = %parallel_loop3A_59 to %parallel_loop3A_60 step %parallel_loop3A_61  : i32 {
      %parallel_loop3A_171 = arith.constant 16 : i32
      %parallel_loop3A_172 = arith.muli %parallel_loop3A_170, %parallel_loop3A_171 : i32
      %parallel_loop3A_173 = arith.index_cast %parallel_loop3A_172 : i32 to index
      %parallel_loop3A_174 = tpu.vector_load %arg6[%parallel_loop3A_173] {strides = array<i32>} : memref<16384xf32, #tpu.memory_space<vmem>>, vector<16xf32>,
      %parallel_loop3A_175 = vector.bitcast %parallel_loop3A_174 : vector<16xf32> to vector<16xi32>
      %parallel_loop3A_176 = arith.shrsi %parallel_loop3A_175, %broadcast_in_dim3A_32 : vector<16xi32>
      tpu.vector_store_idx %arg7[%parallel_loop3A_176], %broadcast_in_dim3A_30 {add = true} : memref<32768xi32, #tpu.memory_space<vmem>>[vector<16xi32>], vector<16xi32>,
      tpu.vector_store_idx %arg8[%parallel_loop3A_176], %parallel_loop3A_174 {add = true} : memref<32768xf32, #tpu.memory_space<vmem>>[vector<16xi32>], vector<16xf32>,
    } {sc.loop_unroll_factor = 16 : i64, sc.parallel_access}
    %dma_start3A_62 = arith.constant 16384 : i32
    %dma_start3A_63 = tpu.memref_slice %arg2[%add3A_10, %dma_start3A_62] : memref<128x32768xf32, #tpu.memory_space<hbm>> -> memref<1x16384xf32, #tpu.memory_space<hbm>>
    %dma_start3A_64 = tpu.memref_squeeze %dma_start3A_63 : memref<1x16384xf32, #tpu.memory_space<hbm>> -> memref<16384xf32, #tpu.memory_space<hbm>>
    %dma_start3A_65 = arith.constant 16384 : i32
    %dma_start3A_66 = tpu.memref_slice %arg2[%add3A_10, %dma_start3A_65] : memref<128x32768xf32, #tpu.memory_space<hbm>> -> memref<1x16384xf32, #tpu.memory_space<hbm>>
    %dma_start3A_67 = tpu.memref_squeeze %dma_start3A_66 : memref<1x16384xf32, #tpu.memory_space<hbm>> -> memref<16384xf32, #tpu.memory_space<hbm>>
    tpu.enqueue_dma source(%dma_start3A_67 : memref<16384xf32, #tpu.memory_space<hbm>>) target(%arg6 : memref<16384xf32, #tpu.memory_space<vmem>>) target_semaphore(%arg10 : memref<!tpu.dma_semaphore, #tpu.memory_space<semaphore_mem>>)
    %dma_wait3A_68 = arith.constant 0 : i32
    %dma_wait3A_69 = tpu.memref_slice %arg2[%add3A_4, %dma_wait3A_68] : memref<128x32768xf32, #tpu.memory_space<hbm>> -> memref<1x16384xf32, #tpu.memory_space<hbm>>
    %dma_wait3A_70 = tpu.memref_squeeze %dma_wait3A_69 : memref<1x16384xf32, #tpu.memory_space<hbm>> -> memref<16384xf32, #tpu.memory_space<hbm>>
    %dma_wait3A_71 = arith.constant 0 : i32
    %dma_wait3A_72 = tpu.memref_slice %arg2[%add3A_4, %dma_wait3A_71] : memref<128x32768xf32, #tpu.memory_space<hbm>> -> memref<1x16384xf32, #tpu.memory_space<hbm>>
    %dma_wait3A_73 = tpu.memref_squeeze %dma_wait3A_72 : memref<1x16384xf32, #tpu.memory_space<hbm>> -> memref<16384xf32, #tpu.memory_space<hbm>>
    tpu.wait_dma2 semaphore(%arg9 : memref<!tpu.dma_semaphore, #tpu.memory_space<semaphore_mem>>) src(%dma_wait3A_73 : memref<16384xf32, #tpu.memory_space<hbm>>) dst(%arg5 : memref<16384xf32, #tpu.memory_space<vmem>>)
    %parallel_loop3A_74 = arith.constant 0 : i32
    %parallel_loop3A_75 = arith.constant 1024 : i32
    %parallel_loop3A_76 = arith.constant 1 : i32
    scf.for %parallel_loop3A_170 = %parallel_loop3A_74 to %parallel_loop3A_75 step %parallel_loop3A_76  : i32 {
      %parallel_loop3A_171 = arith.constant 16 : i32
      %parallel_loop3A_172 = arith.muli %parallel_loop3A_170, %parallel_loop3A_171 : i32
      %parallel_loop3A_173 = arith.index_cast %parallel_loop3A_172 : i32 to index
      %parallel_loop3A_174 = tpu.vector_load %arg5[%parallel_loop3A_173] {strides = array<i32>} : memref<16384xf32, #tpu.memory_space<vmem>>, vector<16xf32>,
      %parallel_loop3A_175 = vector.bitcast %parallel_loop3A_174 : vector<16xf32> to vector<16xi32>
      %parallel_loop3A_176 = arith.shrsi %parallel_loop3A_175, %broadcast_in_dim3A_32 : vector<16xi32>
      tpu.vector_store_idx %arg7[%parallel_loop3A_176], %broadcast_in_dim3A_30 {add = true} : memref<32768xi32, #tpu.memory_space<vmem>>[vector<16xi32>], vector<16xi32>,
      tpu.vector_store_idx %arg8[%parallel_loop3A_176], %parallel_loop3A_174 {add = true} : memref<32768xf32, #tpu.memory_space<vmem>>[vector<16xi32>], vector<16xf32>,
    } {sc.loop_unroll_factor = 16 : i64, sc.parallel_access}
    %dma_start3A_77 = arith.constant 0 : i32
    %dma_start3A_78 = tpu.memref_slice %arg2[%add3A_12, %dma_start3A_77] : memref<128x32768xf32, #tpu.memory_space<hbm>> -> memref<1x16384xf32, #tpu.memory_space<hbm>>
    %dma_start3A_79 = tpu.memref_squeeze %dma_start3A_78 : memref<1x16384xf32, #tpu.memory_space<hbm>> -> memref<16384xf32, #tpu.memory_space<hbm>>
    %dma_start3A_80 = arith.constant 0 : i32
    %dma_start3A_81 = tpu.memref_slice %arg2[%add3A_12, %dma_start3A_80] : memref<128x32768xf32, #tpu.memory_space<hbm>> -> memref<1x16384xf32, #tpu.memory_space<hbm>>
    %dma_start3A_82 = tpu.memref_squeeze %dma_start3A_81 : memref<1x16384xf32, #tpu.memory_space<hbm>> -> memref<16384xf32, #tpu.memory_space<hbm>>
    tpu.enqueue_dma source(%dma_start3A_82 : memref<16384xf32, #tpu.memory_space<hbm>>) target(%arg5 : memref<16384xf32, #tpu.memory_space<vmem>>) target_semaphore(%arg9 : memref<!tpu.dma_semaphore, #tpu.memory_space<semaphore_mem>>)
    %dma_wait3A_83 = arith.constant 0 : i32
    %dma_wait3A_84 = tpu.memref_slice %arg2[%add3A_4, %dma_wait3A_83] : memref<128x32768xf32, #tpu.memory_space<hbm>> -> memref<1x16384xf32, #tpu.memory_space<hbm>>
    %dma_wait3A_85 = tpu.memref_squeeze %dma_wait3A_84 : memref<1x16384xf32, #tpu.memory_space<hbm>> -> memref<16384xf32, #tpu.memory_space<hbm>>
    %dma_wait3A_86 = arith.constant 0 : i32
    %dma_wait3A_87 = tpu.memref_slice %arg2[%add3A_4, %dma_wait3A_86] : memref<128x32768xf32, #tpu.memory_space<hbm>> -> memref<1x16384xf32, #tpu.memory_space<hbm>>
    %dma_wait3A_88 = tpu.memref_squeeze %dma_wait3A_87 : memref<1x16384xf32, #tpu.memory_space<hbm>> -> memref<16384xf32, #tpu.memory_space<hbm>>
    tpu.wait_dma2 semaphore(%arg10 : memref<!tpu.dma_semaphore, #tpu.memory_space<semaphore_mem>>) src(%dma_wait3A_88 : memref<16384xf32, #tpu.memory_space<hbm>>) dst(%arg6 : memref<16384xf32, #tpu.memory_space<vmem>>)
    %parallel_loop3A_89 = arith.constant 0 : i32
    %parallel_loop3A_90 = arith.constant 1024 : i32
    %parallel_loop3A_91 = arith.constant 1 : i32
    scf.for %parallel_loop3A_170 = %parallel_loop3A_89 to %parallel_loop3A_90 step %parallel_loop3A_91  : i32 {
      %parallel_loop3A_171 = arith.constant 16 : i32
      %parallel_loop3A_172 = arith.muli %parallel_loop3A_170, %parallel_loop3A_171 : i32
      %parallel_loop3A_173 = arith.index_cast %parallel_loop3A_172 : i32 to index
      %parallel_loop3A_174 = tpu.vector_load %arg6[%parallel_loop3A_173] {strides = array<i32>} : memref<16384xf32, #tpu.memory_space<vmem>>, vector<16xf32>,
      %parallel_loop3A_175 = vector.bitcast %parallel_loop3A_174 : vector<16xf32> to vector<16xi32>
      %parallel_loop3A_176 = arith.shrsi %parallel_loop3A_175, %broadcast_in_dim3A_32 : vector<16xi32>
      tpu.vector_store_idx %arg7[%parallel_loop3A_176], %broadcast_in_dim3A_30 {add = true} : memref<32768xi32, #tpu.memory_space<vmem>>[vector<16xi32>], vector<16xi32>,
      tpu.vector_store_idx %arg8[%parallel_loop3A_176], %parallel_loop3A_174 {add = true} : memref<32768xf32, #tpu.memory_space<vmem>>[vector<16xi32>], vector<16xf32>,
    } {sc.loop_unroll_factor = 16 : i64, sc.parallel_access}
    %dma_start3A_92 = arith.constant 16384 : i32
    %dma_start3A_93 = tpu.memref_slice %arg2[%add3A_14, %dma_start3A_92] : memref<128x32768xf32, #tpu.memory_space<hbm>> -> memref<1x16384xf32, #tpu.memory_space<hbm>>
    %dma_start3A_94 = tpu.memref_squeeze %dma_start3A_93 : memref<1x16384xf32, #tpu.memory_space<hbm>> -> memref<16384xf32, #tpu.memory_space<hbm>>
    %dma_start3A_95 = arith.constant 16384 : i32
    %dma_start3A_96 = tpu.memref_slice %arg2[%add3A_14, %dma_start3A_95] : memref<128x32768xf32, #tpu.memory_space<hbm>> -> memref<1x16384xf32, #tpu.memory_space<hbm>>
    %dma_start3A_97 = tpu.memref_squeeze %dma_start3A_96 : memref<1x16384xf32, #tpu.memory_space<hbm>> -> memref<16384xf32, #tpu.memory_space<hbm>>
    tpu.enqueue_dma source(%dma_start3A_97 : memref<16384xf32, #tpu.memory_space<hbm>>) target(%arg6 : memref<16384xf32, #tpu.memory_space<vmem>>) target_semaphore(%arg10 : memref<!tpu.dma_semaphore, #tpu.memory_space<semaphore_mem>>)
    %dma_wait3A_98 = arith.constant 0 : i32
    %dma_wait3A_99 = tpu.memref_slice %arg2[%add3A_4, %dma_wait3A_98] : memref<128x32768xf32, #tpu.memory_space<hbm>> -> memref<1x16384xf32, #tpu.memory_space<hbm>>
    %dma_wait3A_100 = tpu.memref_squeeze %dma_wait3A_99 : memref<1x16384xf32, #tpu.memory_space<hbm>> -> memref<16384xf32, #tpu.memory_space<hbm>>
    %dma_wait3A_101 = arith.constant 0 : i32
    %dma_wait3A_102 = tpu.memref_slice %arg2[%add3A_4, %dma_wait3A_101] : memref<128x32768xf32, #tpu.memory_space<hbm>> -> memref<1x16384xf32, #tpu.memory_space<hbm>>
    %dma_wait3A_103 = tpu.memref_squeeze %dma_wait3A_102 : memref<1x16384xf32, #tpu.memory_space<hbm>> -> memref<16384xf32, #tpu.memory_space<hbm>>
    tpu.wait_dma2 semaphore(%arg9 : memref<!tpu.dma_semaphore, #tpu.memory_space<semaphore_mem>>) src(%dma_wait3A_103 : memref<16384xf32, #tpu.memory_space<hbm>>) dst(%arg5 : memref<16384xf32, #tpu.memory_space<vmem>>)
    %parallel_loop3A_104 = arith.constant 0 : i32
    %parallel_loop3A_105 = arith.constant 1024 : i32
    %parallel_loop3A_106 = arith.constant 1 : i32
    scf.for %parallel_loop3A_170 = %parallel_loop3A_104 to %parallel_loop3A_105 step %parallel_loop3A_106  : i32 {
      %parallel_loop3A_171 = arith.constant 16 : i32
      %parallel_loop3A_172 = arith.muli %parallel_loop3A_170, %parallel_loop3A_171 : i32
      %parallel_loop3A_173 = arith.index_cast %parallel_loop3A_172 : i32 to index
      %parallel_loop3A_174 = tpu.vector_load %arg5[%parallel_loop3A_173] {strides = array<i32>} : memref<16384xf32, #tpu.memory_space<vmem>>, vector<16xf32>,
      %parallel_loop3A_175 = vector.bitcast %parallel_loop3A_174 : vector<16xf32> to vector<16xi32>
      %parallel_loop3A_176 = arith.shrsi %parallel_loop3A_175, %broadcast_in_dim3A_32 : vector<16xi32>
      tpu.vector_store_idx %arg7[%parallel_loop3A_176], %broadcast_in_dim3A_30 {add = true} : memref<32768xi32, #tpu.memory_space<vmem>>[vector<16xi32>], vector<16xi32>,
      tpu.vector_store_idx %arg8[%parallel_loop3A_176], %parallel_loop3A_174 {add = true} : memref<32768xf32, #tpu.memory_space<vmem>>[vector<16xi32>], vector<16xf32>,
    } {sc.loop_unroll_factor = 16 : i64, sc.parallel_access}
    %dma_start3A_107 = arith.constant 0 : i32
    %dma_start3A_108 = tpu.memref_slice %arg2[%add3A_16, %dma_start3A_107] : memref<128x32768xf32, #tpu.memory_space<hbm>> -> memref<1x16384xf32, #tpu.memory_space<hbm>>
    %dma_start3A_109 = tpu.memref_squeeze %dma_start3A_108 : memref<1x16384xf32, #tpu.memory_space<hbm>> -> memref<16384xf32, #tpu.memory_space<hbm>>
    %dma_start3A_110 = arith.constant 0 : i32
    %dma_start3A_111 = tpu.memref_slice %arg2[%add3A_16, %dma_start3A_110] : memref<128x32768xf32, #tpu.memory_space<hbm>> -> memref<1x16384xf32, #tpu.memory_space<hbm>>
    %dma_start3A_112 = tpu.memref_squeeze %dma_start3A_111 : memref<1x16384xf32, #tpu.memory_space<hbm>> -> memref<16384xf32, #tpu.memory_space<hbm>>
    tpu.enqueue_dma source(%dma_start3A_112 : memref<16384xf32, #tpu.memory_space<hbm>>) target(%arg5 : memref<16384xf32, #tpu.memory_space<vmem>>) target_semaphore(%arg9 : memref<!tpu.dma_semaphore, #tpu.memory_space<semaphore_mem>>)
    %dma_wait3A_113 = arith.constant 0 : i32
    %dma_wait3A_114 = tpu.memref_slice %arg2[%add3A_4, %dma_wait3A_113] : memref<128x32768xf32, #tpu.memory_space<hbm>> -> memref<1x16384xf32, #tpu.memory_space<hbm>>
    %dma_wait3A_115 = tpu.memref_squeeze %dma_wait3A_114 : memref<1x16384xf32, #tpu.memory_space<hbm>> -> memref<16384xf32, #tpu.memory_space<hbm>>
    %dma_wait3A_116 = arith.constant 0 : i32
    %dma_wait3A_117 = tpu.memref_slice %arg2[%add3A_4, %dma_wait3A_116] : memref<128x32768xf32, #tpu.memory_space<hbm>> -> memref<1x16384xf32, #tpu.memory_space<hbm>>
    %dma_wait3A_118 = tpu.memref_squeeze %dma_wait3A_117 : memref<1x16384xf32, #tpu.memory_space<hbm>> -> memref<16384xf32, #tpu.memory_space<hbm>>
    tpu.wait_dma2 semaphore(%arg10 : memref<!tpu.dma_semaphore, #tpu.memory_space<semaphore_mem>>) src(%dma_wait3A_118 : memref<16384xf32, #tpu.memory_space<hbm>>) dst(%arg6 : memref<16384xf32, #tpu.memory_space<vmem>>)
    %parallel_loop3A_119 = arith.constant 0 : i32
    %parallel_loop3A_120 = arith.constant 1024 : i32
    %parallel_loop3A_121 = arith.constant 1 : i32
    scf.for %parallel_loop3A_170 = %parallel_loop3A_119 to %parallel_loop3A_120 step %parallel_loop3A_121  : i32 {
      %parallel_loop3A_171 = arith.constant 16 : i32
      %parallel_loop3A_172 = arith.muli %parallel_loop3A_170, %parallel_loop3A_171 : i32
      %parallel_loop3A_173 = arith.index_cast %parallel_loop3A_172 : i32 to index
      %parallel_loop3A_174 = tpu.vector_load %arg6[%parallel_loop3A_173] {strides = array<i32>} : memref<16384xf32, #tpu.memory_space<vmem>>, vector<16xf32>,
      %parallel_loop3A_175 = vector.bitcast %parallel_loop3A_174 : vector<16xf32> to vector<16xi32>
      %parallel_loop3A_176 = arith.shrsi %parallel_loop3A_175, %broadcast_in_dim3A_32 : vector<16xi32>
      tpu.vector_store_idx %arg7[%parallel_loop3A_176], %broadcast_in_dim3A_30 {add = true} : memref<32768xi32, #tpu.memory_space<vmem>>[vector<16xi32>], vector<16xi32>,
      tpu.vector_store_idx %arg8[%parallel_loop3A_176], %parallel_loop3A_174 {add = true} : memref<32768xf32, #tpu.memory_space<vmem>>[vector<16xi32>], vector<16xf32>,
    } {sc.loop_unroll_factor = 16 : i64, sc.parallel_access}
    %dma_start3A_122 = arith.constant 16384 : i32
    %dma_start3A_123 = tpu.memref_slice %arg2[%add3A_18, %dma_start3A_122] : memref<128x32768xf32, #tpu.memory_space<hbm>> -> memref<1x16384xf32, #tpu.memory_space<hbm>>
    %dma_start3A_124 = tpu.memref_squeeze %dma_start3A_123 : memref<1x16384xf32, #tpu.memory_space<hbm>> -> memref<16384xf32, #tpu.memory_space<hbm>>
    %dma_start3A_125 = arith.constant 16384 : i32
    %dma_start3A_126 = tpu.memref_slice %arg2[%add3A_18, %dma_start3A_125] : memref<128x32768xf32, #tpu.memory_space<hbm>> -> memref<1x16384xf32, #tpu.memory_space<hbm>>
    %dma_start3A_127 = tpu.memref_squeeze %dma_start3A_126 : memref<1x16384xf32, #tpu.memory_space<hbm>> -> memref<16384xf32, #tpu.memory_space<hbm>>
    tpu.enqueue_dma source(%dma_start3A_127 : memref<16384xf32, #tpu.memory_space<hbm>>) target(%arg6 : memref<16384xf32, #tpu.memory_space<vmem>>) target_semaphore(%arg10 : memref<!tpu.dma_semaphore, #tpu.memory_space<semaphore_mem>>)
    %dma_wait3A_128 = arith.constant 0 : i32
    %dma_wait3A_129 = tpu.memref_slice %arg2[%add3A_4, %dma_wait3A_128] : memref<128x32768xf32, #tpu.memory_space<hbm>> -> memref<1x16384xf32, #tpu.memory_space<hbm>>
    %dma_wait3A_130 = tpu.memref_squeeze %dma_wait3A_129 : memref<1x16384xf32, #tpu.memory_space<hbm>> -> memref<16384xf32, #tpu.memory_space<hbm>>
    %dma_wait3A_131 = arith.constant 0 : i32
    %dma_wait3A_132 = tpu.memref_slice %arg2[%add3A_4, %dma_wait3A_131] : memref<128x32768xf32, #tpu.memory_space<hbm>> -> memref<1x16384xf32, #tpu.memory_space<hbm>>
    %dma_wait3A_133 = tpu.memref_squeeze %dma_wait3A_132 : memref<1x16384xf32, #tpu.memory_space<hbm>> -> memref<16384xf32, #tpu.memory_space<hbm>>
    tpu.wait_dma2 semaphore(%arg9 : memref<!tpu.dma_semaphore, #tpu.memory_space<semaphore_mem>>) src(%dma_wait3A_133 : memref<16384xf32, #tpu.memory_space<hbm>>) dst(%arg5 : memref<16384xf32, #tpu.memory_space<vmem>>)
    %parallel_loop3A_134 = arith.constant 0 : i32
    %parallel_loop3A_135 = arith.constant 1024 : i32
    %parallel_loop3A_136 = arith.constant 1 : i32
    scf.for %parallel_loop3A_170 = %parallel_loop3A_134 to %parallel_loop3A_135 step %parallel_loop3A_136  : i32 {
      %parallel_loop3A_171 = arith.constant 16 : i32
      %parallel_loop3A_172 = arith.muli %parallel_loop3A_170, %parallel_loop3A_171 : i32
      %parallel_loop3A_173 = arith.index_cast %parallel_loop3A_172 : i32 to index
      %parallel_loop3A_174 = tpu.vector_load %arg5[%parallel_loop3A_173] {strides = array<i32>} : memref<16384xf32, #tpu.memory_space<vmem>>, vector<16xf32>,
      %parallel_loop3A_175 = vector.bitcast %parallel_loop3A_174 : vector<16xf32> to vector<16xi32>
      %parallel_loop3A_176 = arith.shrsi %parallel_loop3A_175, %broadcast_in_dim3A_32 : vector<16xi32>
      tpu.vector_store_idx %arg7[%parallel_loop3A_176], %broadcast_in_dim3A_30 {add = true} : memref<32768xi32, #tpu.memory_space<vmem>>[vector<16xi32>], vector<16xi32>,
      tpu.vector_store_idx %arg8[%parallel_loop3A_176], %parallel_loop3A_174 {add = true} : memref<32768xf32, #tpu.memory_space<vmem>>[vector<16xi32>], vector<16xf32>,
    } {sc.loop_unroll_factor = 16 : i64, sc.parallel_access}
    %dma_wait3A_137 = arith.constant 0 : i32
    %dma_wait3A_138 = tpu.memref_slice %arg2[%add3A_4, %dma_wait3A_137] : memref<128x32768xf32, #tpu.memory_space<hbm>> -> memref<1x16384xf32, #tpu.memory_space<hbm>>
    %dma_wait3A_139 = tpu.memref_squeeze %dma_wait3A_138 : memref<1x16384xf32, #tpu.memory_space<hbm>> -> memref<16384xf32, #tpu.memory_space<hbm>>
    %dma_wait3A_140 = arith.constant 0 : i32
    %dma_wait3A_141 = tpu.memref_slice %arg2[%add3A_4, %dma_wait3A_140] : memref<128x32768xf32, #tpu.memory_space<hbm>> -> memref<1x16384xf32, #tpu.memory_space<hbm>>
    %dma_wait3A_142 = tpu.memref_squeeze %dma_wait3A_141 : memref<1x16384xf32, #tpu.memory_space<hbm>> -> memref<16384xf32, #tpu.memory_space<hbm>>
    tpu.wait_dma2 semaphore(%arg10 : memref<!tpu.dma_semaphore, #tpu.memory_space<semaphore_mem>>) src(%dma_wait3A_142 : memref<16384xf32, #tpu.memory_space<hbm>>) dst(%arg6 : memref<16384xf32, #tpu.memory_space<vmem>>)
    %parallel_loop3A_143 = arith.constant 0 : i32
    %parallel_loop3A_144 = arith.constant 1024 : i32
    %parallel_loop3A_145 = arith.constant 1 : i32
    scf.for %parallel_loop3A_170 = %parallel_loop3A_143 to %parallel_loop3A_144 step %parallel_loop3A_145  : i32 {
      %parallel_loop3A_171 = arith.constant 16 : i32
      %parallel_loop3A_172 = arith.muli %parallel_loop3A_170, %parallel_loop3A_171 : i32
      %parallel_loop3A_173 = arith.index_cast %parallel_loop3A_172 : i32 to index
      %parallel_loop3A_174 = tpu.vector_load %arg6[%parallel_loop3A_173] {strides = array<i32>} : memref<16384xf32, #tpu.memory_space<vmem>>, vector<16xf32>,
      %parallel_loop3A_175 = vector.bitcast %parallel_loop3A_174 : vector<16xf32> to vector<16xi32>
      %parallel_loop3A_176 = arith.shrsi %parallel_loop3A_175, %broadcast_in_dim3A_32 : vector<16xi32>
      tpu.vector_store_idx %arg7[%parallel_loop3A_176], %broadcast_in_dim3A_30 {add = true} : memref<32768xi32, #tpu.memory_space<vmem>>[vector<16xi32>], vector<16xi32>,
      tpu.vector_store_idx %arg8[%parallel_loop3A_176], %parallel_loop3A_174 {add = true} : memref<32768xf32, #tpu.memory_space<vmem>>[vector<16xi32>], vector<16xf32>,
    } {sc.loop_unroll_factor = 16 : i64, sc.parallel_access}
    %dma_start3A_146 = arith.constant 0 : i32
    %dma_start3A_147 = tpu.memref_slice %arg3[%add3A, %dma_start3A_146] : memref<32x32768xi32, #tpu.memory_space<hbm>> -> memref<1x32768xi32, #tpu.memory_space<hbm>>
    %dma_start3A_148 = tpu.memref_squeeze %dma_start3A_147 : memref<1x32768xi32, #tpu.memory_space<hbm>> -> memref<32768xi32, #tpu.memory_space<hbm>>
    %dma_start3A_149 = arith.constant 0 : i32
    %dma_start3A_150 = tpu.memref_slice %arg3[%add3A, %dma_start3A_149] : memref<32x32768xi32, #tpu.memory_space<hbm>> -> memref<1x32768xi32, #tpu.memory_space<hbm>>
    %dma_start3A_151 = tpu.memref_squeeze %dma_start3A_150 : memref<1x32768xi32, #tpu.memory_space<hbm>> -> memref<32768xi32, #tpu.memory_space<hbm>>
    tpu.enqueue_dma source(%arg7 : memref<32768xi32, #tpu.memory_space<vmem>>) target(%dma_start3A_151 : memref<32768xi32, #tpu.memory_space<hbm>>) target_semaphore(%arg9 : memref<!tpu.dma_semaphore, #tpu.memory_space<semaphore_mem>>)
    %dma_start3A_152 = arith.constant 0 : i32
    %dma_start3A_153 = tpu.memref_slice %arg4[%add3A, %dma_start3A_152] : memref<32x32768xf32, #tpu.memory_space<hbm>> -> memref<1x32768xf32, #tpu.memory_space<hbm>>
    %dma_start3A_154 = tpu.memref_squeeze %dma_start3A_153 : memref<1x32768xf32, #tpu.memory_space<hbm>> -> memref<32768xf32, #tpu.memory_space<hbm>>
    %dma_start3A_155 = arith.constant 0 : i32
    %dma_start3A_156 = tpu.memref_slice %arg4[%add3A, %dma_start3A_155] : memref<32x32768xf32, #tpu.memory_space<hbm>> -> memref<1x32768xf32, #tpu.memory_space<hbm>>
    %dma_start3A_157 = tpu.memref_squeeze %dma_start3A_156 : memref<1x32768xf32, #tpu.memory_space<hbm>> -> memref<32768xf32, #tpu.memory_space<hbm>>
    tpu.enqueue_dma source(%arg8 : memref<32768xf32, #tpu.memory_space<vmem>>) target(%dma_start3A_157 : memref<32768xf32, #tpu.memory_space<hbm>>) target_semaphore(%arg10 : memref<!tpu.dma_semaphore, #tpu.memory_space<semaphore_mem>>)
    %dma_wait3A_158 = arith.constant 0 : i32
    %dma_wait3A_159 = tpu.memref_slice %arg3[%add3A, %dma_wait3A_158] : memref<32x32768xi32, #tpu.memory_space<hbm>> -> memref<1x32768xi32, #tpu.memory_space<hbm>>
    %dma_wait3A_160 = tpu.memref_squeeze %dma_wait3A_159 : memref<1x32768xi32, #tpu.memory_space<hbm>> -> memref<32768xi32, #tpu.memory_space<hbm>>
    %dma_wait3A_161 = arith.constant 0 : i32
    %dma_wait3A_162 = tpu.memref_slice %arg3[%add3A, %dma_wait3A_161] : memref<32x32768xi32, #tpu.memory_space<hbm>> -> memref<1x32768xi32, #tpu.memory_space<hbm>>
    %dma_wait3A_163 = tpu.memref_squeeze %dma_wait3A_162 : memref<1x32768xi32, #tpu.memory_space<hbm>> -> memref<32768xi32, #tpu.memory_space<hbm>>
    tpu.wait_dma2 semaphore(%arg9 : memref<!tpu.dma_semaphore, #tpu.memory_space<semaphore_mem>>) src(%arg7 : memref<32768xi32, #tpu.memory_space<vmem>>) dst(%dma_wait3A_163 : memref<32768xi32, #tpu.memory_space<hbm>>)
    %dma_wait3A_164 = arith.constant 0 : i32
    %dma_wait3A_165 = tpu.memref_slice %arg4[%add3A, %dma_wait3A_164] : memref<32x32768xf32, #tpu.memory_space<hbm>> -> memref<1x32768xf32, #tpu.memory_space<hbm>>
    %dma_wait3A_166 = tpu.memref_squeeze %dma_wait3A_165 : memref<1x32768xf32, #tpu.memory_space<hbm>> -> memref<32768xf32, #tpu.memory_space<hbm>>
    %dma_wait3A_167 = arith.constant 0 : i32
    %dma_wait3A_168 = tpu.memref_slice %arg4[%add3A, %dma_wait3A_167] : memref<32x32768xf32, #tpu.memory_space<hbm>> -> memref<1x32768xf32, #tpu.memory_space<hbm>>
    %dma_wait3A_169 = tpu.memref_squeeze %dma_wait3A_168 : memref<1x32768xf32, #tpu.memory_space<hbm>> -> memref<32768xf32, #tpu.memory_space<hbm>>
    tpu.wait_dma2 semaphore(%arg10 : memref<!tpu.dma_semaphore, #tpu.memory_space<semaphore_mem>>) src(%arg8 : memref<32768xf32, #tpu.memory_space<vmem>>) dst(%dma_wait3A_169 : memref<32768xf32, #tpu.memory_space<hbm>>)
    return
  }
}

module attributes {stable_mosaic.version = 14 : i64} {
  func.func @_finalize_body(%arg0: memref<32x32768xi32, #tpu.memory_space<vmem>>, %arg1: memref<32x32768xf32, #tpu.memory_space<vmem>>, %arg2: memref<1x1xf32, #tpu.memory_space<vmem>>) attributes {dimension_semantics = [], scalar_prefetch = 0 : i64, scratch_operands = 0 : i64, tpu.core_type = #tpu.core_type<tc>} {
    %get3A = arith.constant 0 : index
    %get3A_0 = arith.constant 0 : index
    %get3A_1 = vector.load %arg0[%get3A, %get3A_0] : memref<32x32768xi32, #tpu.memory_space<vmem>>, vector<32x32768xi32>
    %reduce_sum3A = arith.constant dense<0> : vector<32768xi32>
    %reduce_sum3A_2 = vector.multi_reduction <add>, %get3A_1, %reduce_sum3A [0] : vector<32x32768xi32> to vector<32768xi32>
    %get3A_3 = arith.constant 0 : index
    %get3A_4 = arith.constant 0 : index
    %get3A_5 = vector.load %arg1[%get3A_3, %get3A_4] : memref<32x32768xf32, #tpu.memory_space<vmem>>, vector<32x32768xf32>
    %reduce_sum3A_6 = arith.constant dense<0.000000e+00> : vector<32768xf32>
    %reduce_sum3A_7 = vector.multi_reduction <add>, %get3A_5, %reduce_sum3A_6 [0] : vector<32x32768xf32> to vector<32768xf32>
    %iota3A = tpu.iota {dimensions = array<i32: 1>} : vector<1x32768xi32>
    %iota3A_8 = vector.shape_cast %iota3A : vector<1x32768xi32> to vector<32768xi32>
    %scan3A = arith.constant 0 : i32
    %scan3A_9 = arith.constant 32768 : i32
    %scan3A_10 = arith.constant 0 : i32
    %scan3A_11 = arith.constant 15 : i32
    %scan3A_12 = arith.addi %scan3A_10, %scan3A_11 : i32
    %scan3A_13 = arith.constant 1 : i32
    %scan3A_14:2 = scf.for %scan3A_69 = %scan3A_10 to %scan3A_12 step %scan3A_13 iter_args(%scan3A_70 = %scan3A, %scan3A_71 = %scan3A_9) -> (i32, i32)  : i32 {
      %add3A_72 = arith.addi %scan3A_70, %scan3A_71 : i32
      %jit3A_73 = arith.constant 2 : i32
      %div3A_74 = arith.divsi %add3A_72, %jit3A_73 : i32
      %sign3A = arith.constant 0 : i32
      %sign3A_75 = arith.cmpi sgt, %add3A_72, %sign3A : i32
      %sign3A_76 = arith.extui %sign3A_75 : i1 to i32
      %sign3A_77 = arith.constant 0 : i32
      %sign3A_78 = arith.cmpi slt, %add3A_72, %sign3A_77 : i32
      %sign3A_79 = arith.extui %sign3A_78 : i1 to i32
      %sign3A_80 = arith.subi %sign3A_76, %sign3A_79 : i32
      %sign3A_81 = arith.constant 0 : i32
      %sign3A_82 = arith.cmpi sgt, %jit3A_73, %sign3A_81 : i32
      %sign3A_83 = arith.extui %sign3A_82 : i1 to i32
      %sign3A_84 = arith.constant 0 : i32
      %sign3A_85 = arith.cmpi slt, %jit3A_73, %sign3A_84 : i32
      %sign3A_86 = arith.extui %sign3A_85 : i1 to i32
      %sign3A_87 = arith.subi %sign3A_83, %sign3A_86 : i32
      %ne3A = arith.cmpi ne, %sign3A_80, %sign3A_87 : i32
      %rem3A = arith.remsi %add3A_72, %jit3A_73 : i32
      %ne3A_88 = arith.constant 0 : i32
      %ne3A_89 = arith.cmpi ne, %rem3A, %ne3A_88 : i32
      %and3A = arith.andi %ne3A, %ne3A_89 : i1
      %sub3A_90 = arith.constant 1 : i32
      %sub3A_91 = arith.subi %div3A_74, %sub3A_90 : i32
      %select_n3A_92 = arith.select %and3A, %sub3A_91, %div3A_74 : i32
      %ge3A = vector.broadcast %select_n3A_92 : i32 to vector<32768xi32>
      %ge3A_93 = arith.cmpi sge, %iota3A_8, %ge3A : vector<32768xi32>
      %jit3A_94 = arith.constant 0 : i32
      %broadcast_in_dim3A_95 = vector.broadcast %jit3A_94 : i32 to vector<32768xi32>
      %select_n3A_96 = arith.select %ge3A_93, %reduce_sum3A_2, %broadcast_in_dim3A_95 : vector<32768xi1>, vector<32768xi32>
      %reduce_sum3A_97 = vector.shape_cast %select_n3A_96 : vector<32768xi32> to vector<1x32768xi32>
      %reduce_sum3A_98 = arith.constant dense<0> : vector<1xi32>
      %reduce_sum3A_99 = vector.multi_reduction <add>, %reduce_sum3A_97, %reduce_sum3A_98 [1] : vector<1x32768xi32> to vector<1xi32>
      %reduce_sum3A_100 = vector.shape_cast %reduce_sum3A_99 : vector<1xi32> to vector<1x1xi32>
      %reduce_sum3A_101 = vector.extract %reduce_sum3A_100[0, 0] : i32 from vector<1x1xi32>
      %ge3A_102 = arith.constant 419430 : i32
      %ge3A_103 = arith.cmpi sge, %reduce_sum3A_101, %ge3A_102 : i32
      %select_n3A_104 = arith.select %ge3A_103, %select_n3A_92, %scan3A_70 : i32
      %select_n3A_105 = arith.select %ge3A_103, %scan3A_71, %select_n3A_92 : i32
      scf.yield %select_n3A_104, %select_n3A_105 : i32, i32
    }
    %gt3A = vector.broadcast %scan3A_14#0 : i32 to vector<32768xi32>
    %gt3A_15 = arith.cmpi sgt, %iota3A_8, %gt3A : vector<32768xi32>
    %jit3A = arith.constant 0 : i32
    %broadcast_in_dim3A = vector.broadcast %jit3A : i32 to vector<32768xi32>
    %select_n3A = arith.select %gt3A_15, %reduce_sum3A_2, %broadcast_in_dim3A : vector<32768xi1>, vector<32768xi32>
    %reduce_sum3A_16 = vector.shape_cast %select_n3A : vector<32768xi32> to vector<1x32768xi32>
    %reduce_sum3A_17 = arith.constant dense<0> : vector<1xi32>
    %reduce_sum3A_18 = vector.multi_reduction <add>, %reduce_sum3A_16, %reduce_sum3A_17 [1] : vector<1x32768xi32> to vector<1xi32>
    %reduce_sum3A_19 = vector.shape_cast %reduce_sum3A_18 : vector<1xi32> to vector<1x1xi32>
    %reduce_sum3A_20 = vector.extract %reduce_sum3A_19[0, 0] : i32 from vector<1x1xi32>
    %gt3A_21 = vector.broadcast %scan3A_14#0 : i32 to vector<32768xi32>
    %gt3A_22 = arith.cmpi sgt, %iota3A_8, %gt3A_21 : vector<32768xi32>
    %jit3A_23 = arith.constant 0.000000e+00 : f32
    %broadcast_in_dim3A_24 = vector.broadcast %jit3A_23 : f32 to vector<32768xf32>
    %select_n3A_25 = arith.select %gt3A_22, %reduce_sum3A_7, %broadcast_in_dim3A_24 : vector<32768xi1>, vector<32768xf32>
    %reduce_sum3A_26 = vector.shape_cast %select_n3A_25 : vector<32768xf32> to vector<1x32768xf32>
    %reduce_sum3A_27 = arith.constant dense<0.000000e+00> : vector<1xf32>
    %reduce_sum3A_28 = vector.multi_reduction <add>, %reduce_sum3A_26, %reduce_sum3A_27 [1] : vector<1x32768xf32> to vector<1xf32>
    %reduce_sum3A_29 = vector.shape_cast %reduce_sum3A_28 : vector<1xf32> to vector<1x1xf32>
    %reduce_sum3A_30 = vector.extract %reduce_sum3A_29[0, 0] : f32 from vector<1x1xf32>
    %eq3A = vector.broadcast %scan3A_14#0 : i32 to vector<32768xi32>
    %eq3A_31 = arith.cmpi eq, %iota3A_8, %eq3A : vector<32768xi32>
    %jit3A_32 = arith.constant 0 : i32
    %broadcast_in_dim3A_33 = vector.broadcast %jit3A_32 : i32 to vector<32768xi32>
    %select_n3A_34 = arith.select %eq3A_31, %reduce_sum3A_2, %broadcast_in_dim3A_33 : vector<32768xi1>, vector<32768xi32>
    %reduce_sum3A_35 = vector.shape_cast %select_n3A_34 : vector<32768xi32> to vector<1x32768xi32>
    %reduce_sum3A_36 = arith.constant dense<0> : vector<1xi32>
    %reduce_sum3A_37 = vector.multi_reduction <add>, %reduce_sum3A_35, %reduce_sum3A_36 [1] : vector<1x32768xi32> to vector<1xi32>
    %reduce_sum3A_38 = vector.shape_cast %reduce_sum3A_37 : vector<1xi32> to vector<1x1xi32>
    %reduce_sum3A_39 = vector.extract %reduce_sum3A_38[0, 0] : i32 from vector<1x1xi32>
    %convert_element_type3A = arith.sitofp %reduce_sum3A_39 : i32 to f32
    %sub3A = arith.constant 419430 : i32
    %sub3A_40 = arith.subi %sub3A, %reduce_sum3A_20 : i32
    %convert_element_type3A_41 = arith.sitofp %sub3A_40 : i32 to f32
    %broadcast_in_dim3A_42 = arith.constant 0 : i32
    %broadcast_in_dim3A_43 = vector.broadcast %broadcast_in_dim3A_42 : i32 to vector<1x1xi32>
    %shift_left3A = arith.constant 17 : i32
    %shift_left3A_44 = arith.shli %scan3A_14#0, %shift_left3A : i32
    %add3A = vector.broadcast %shift_left3A_44 : i32 to vector<1x1xi32>
    %add3A_45 = arith.addi %broadcast_in_dim3A_43, %add3A : vector<1x1xi32>
    %bitcast_convert_type3A = tpu.bitcast %add3A_45 : vector<1x1xi32> -> vector<1x1xf32>
    %broadcast_in_dim3A_46 = arith.constant 0 : i32
    %broadcast_in_dim3A_47 = vector.broadcast %broadcast_in_dim3A_46 : i32 to vector<1x1xi32>
    %add3A_48 = arith.constant 1 : i32
    %add3A_49 = arith.addi %scan3A_14#0, %add3A_48 : i32
    %shift_left3A_50 = arith.constant 17 : i32
    %shift_left3A_51 = arith.shli %add3A_49, %shift_left3A_50 : i32
    %add3A_52 = vector.broadcast %shift_left3A_51 : i32 to vector<1x1xi32>
    %add3A_53 = arith.addi %broadcast_in_dim3A_47, %add3A_52 : vector<1x1xi32>
    %bitcast_convert_type3A_54 = tpu.bitcast %add3A_53 : vector<1x1xi32> -> vector<1x1xf32>
    %mul3A = arith.constant 2.000000e+00 : f32
    %mul3A_55 = arith.mulf %mul3A, %convert_element_type3A : f32
    %div3A = arith.divf %convert_element_type3A_41, %mul3A_55 : f32
    %sub3A_56 = arith.subf %bitcast_convert_type3A_54, %bitcast_convert_type3A : vector<1x1xf32>
    %mul3A_57 = vector.broadcast %div3A : f32 to vector<1x1xf32>
    %mul3A_58 = arith.mulf %mul3A_57, %sub3A_56 : vector<1x1xf32>
    %sub3A_59 = arith.subf %bitcast_convert_type3A_54, %mul3A_58 : vector<1x1xf32>
    %mul3A_60 = vector.broadcast %convert_element_type3A_41 : f32 to vector<1x1xf32>
    %mul3A_61 = arith.mulf %mul3A_60, %sub3A_59 : vector<1x1xf32>
    %add3A_62 = vector.broadcast %reduce_sum3A_30 : f32 to vector<1x1xf32>
    %add3A_63 = arith.addf %add3A_62, %mul3A_61 : vector<1x1xf32>
    %mul3A_64 = arith.constant 2.38418806E-6 : f32
    %mul3A_65 = vector.broadcast %mul3A_64 : f32 to vector<1x1xf32>
    %mul3A_66 = arith.mulf %add3A_63, %mul3A_65 : vector<1x1xf32>
    %swap3A = arith.constant 0 : index
    %swap3A_67 = arith.constant 0 : index
    %swap3A_68 = vector.load %arg2[%swap3A, %swap3A_67] : memref<1x1xf32, #tpu.memory_space<vmem>>, vector<1x1xf32>
    tpu.vector_store %arg2[%swap3A, %swap3A_67], %mul3A_66 {strides = array<i32>} : memref<1x1xf32, #tpu.memory_space<vmem>>, vector<1x1xf32>,
    return
  }
}

module attributes {stable_mosaic.version = 14 : i64} {
  func.func @_loss_body(%arg0: i32, %arg1: memref<128x4096xf32, #tpu.memory_space<vmem>>, %arg2: memref<128x4096xf32, #tpu.memory_space<vmem>>, %arg3: memref<128x4096xf32, #tpu.memory_space<vmem>>) attributes {dimension_semantics = [#tpu.dimension_semantics<arbitrary>], iteration_bounds = array<i64: 8>, scalar_prefetch = 0 : i64, scratch_operands = 0 : i64, tpu.core_type = #tpu.core_type<tc>, window_params = [{transform_indices = @transform_0, window_bounds = array<i64: 128, 4096>}, {transform_indices = @transform_1, window_bounds = array<i64: 128, 4096>}, {transform_indices = @transform_2, window_bounds = array<i64: 128, 4096>}]} {
    %get3A = arith.constant 0 : index
    %get3A_0 = arith.constant 0 : index
    %get3A_1 = vector.load %arg1[%get3A, %get3A_0] : memref<128x4096xf32, #tpu.memory_space<vmem>>, vector<128x4096xf32>
    %get3A_2 = arith.constant 0 : index
    %get3A_3 = arith.constant 0 : index
    %get3A_4 = vector.load %arg2[%get3A_2, %get3A_3] : memref<128x4096xf32, #tpu.memory_space<vmem>>, vector<128x4096xf32>
    %sub3A = arith.constant 1.000000e+00 : f32
    %sub3A_5 = vector.broadcast %sub3A : f32 to vector<128x4096xf32>
    %sub3A_6 = arith.subf %sub3A_5, %get3A_4 : vector<128x4096xf32>
    %mul3A = arith.mulf %sub3A_6, %get3A_1 : vector<128x4096xf32>
    %abs3A = math.absf %get3A_1 : vector<128x4096xf32>
    %neg3A = arith.constant 0.000000e+00 : f32
    %neg3A_7 = vector.broadcast %neg3A : f32 to vector<128x4096xf32>
    %neg3A_8 = arith.subf %neg3A_7, %abs3A : vector<128x4096xf32>
    %exp3A = math.exp %neg3A_8 : vector<128x4096xf32>
    %log1p3A = math.log1p %exp3A : vector<128x4096xf32>
    %neg3A_9 = arith.constant 0.000000e+00 : f32
    %neg3A_10 = vector.broadcast %neg3A_9 : f32 to vector<128x4096xf32>
    %neg3A_11 = arith.subf %neg3A_10, %get3A_1 : vector<128x4096xf32>
    %max3A = arith.constant 0.000000e+00 : f32
    %max3A_12 = vector.broadcast %max3A : f32 to vector<128x4096xf32>
    %max3A_13 = arith.maximumf %neg3A_11, %max3A_12 : vector<128x4096xf32>
    %add3A = arith.addf %log1p3A, %max3A_13 : vector<128x4096xf32>
    %add3A_14 = arith.addf %mul3A, %add3A : vector<128x4096xf32>
    %swap3A = arith.constant 0 : index
    %swap3A_15 = arith.constant 0 : index
    %swap3A_16 = vector.load %arg3[%swap3A, %swap3A_15] : memref<128x4096xf32, #tpu.memory_space<vmem>>, vector<128x4096xf32>
    tpu.vector_store %arg3[%swap3A, %swap3A_15], %add3A_14 {strides = array<i32>} : memref<128x4096xf32, #tpu.memory_space<vmem>>, vector<128x4096xf32>,
    return
  }
  func.func @transform_0(%arg0: i32) -> (i32, i32) {
    %c0_i32 = arith.constant 0 : i32
    %c0_i32_0 = arith.constant 0 : i32
    return %c0_i32, %arg0 : i32, i32
  }
  func.func @transform_1(%arg0: i32) -> (i32, i32) {
    %c0_i32 = arith.constant 0 : i32
    %c0_i32_0 = arith.constant 0 : i32
    return %c0_i32, %arg0 : i32, i32
  }
  func.func @transform_2(%arg0: i32) -> (i32, i32) {
    %c0_i32 = arith.constant 0 : i32
    %c0_i32_0 = arith.constant 0 : i32
    return %c0_i32, %arg0 : i32, i32
  }
}

</mosaic_0001>

<sc_bundles>
// kernel: kernel.5.cloned.1.call-start
scs
__scs_entry_jumppad:
0x0: {  	(pc) =	sbr.rel $0x88, $3  }
0x1: {  	(tag) =	ssettag $0x0;
	lr =	simm.s32 $0x1  }
0x2: {  	[smem:$0x3F9F] =	sst lr;
	_ =	strace $0xD0000000  }
0x3: {  	_ = 	snop  }
0x4: {  	_ = 	snop  }
0x5: {  	_ = 	snop  }
0x6: {  	_ = 	snop  }
0x7: {  	_ = 	snop  }
__scs_overlays_trampoline_lowered:
0x8: {  	[smem:$0x3FAE] =	sst s0  }
0x9: {  	[smem:$0x3FAF] =	sst s1  }
0xa: {  	[smem:$0x3FB0] =	sst s2  }
0xb: {  	[smem:$0x3FB1] =	sst s3  }
0xc: {  	[smem:$0x3FB2] =	sst s4  }
0xd: {  	[smem:$0x3FB3] =	sst s5  }
0xe: {  	[smem:$0x3FB4] =	sst s6  }
0xf: {  	[smem:$0x3FB5] =	sst s7  }
0x10: {  	[smem:$0x3FB6] =	sst s8  }
0x11: {  	[smem:$0x3FB7] =	sst s9;
	s0 =	simm.s32 @!p0 $0x0  }
0x12: {  	s1 =	sld [smem:$0x3F9D];
	s0 =	simm.s32 @p0 $0x1  }
0x13: {  	[smem:$0x3FB8] =	sst s0;
	s0 =	simm.s32 @!p1 $0x0  }
0x14: {  	s2 =	sld [smem:$0x3F9C];
	s0 =	simm.s32 @p1 $0x1  }
0x15: {  	[smem:$0x3FB9] =	sst s0;
	s0 =	simm.s32 @!p2 $0x0  }
0x16: {  	s3 =	sld [smem:$0x3FDB];
	s0 =	simm.s32 @p2 $0x1  }
0x17: {  	s4 =	simm.s32 $0x1BF5;
	[smem:$0x3FBB] =	sst s0  }
0x18: {  	s0 =	sld [smem:$0x3F9E];
	_ =	swait.ge [sflag:s4], $0x0  }
0x19: {  	s7 =	sld [smem:$0x3F9F]  }
0x1a: {  	s8 =	sadd.s32 $0xFFFFE003, lr  }
0x1b: {  	s9 =	sadd.s32 $0xFFFFFEF7, lr;
	s5 =	simm.s32 $0xFFFFFFFF;
	p2 =	slt.u32 s8, $0xFFFFF086  }
0x1c: {  	p1 =	slt.u32 s9, $0xF7A;
	s5 =	simm.s32 @!p2 $0x0  }
0x1d: {  	s5 =	simm.s32 @p1 $0x1;
	p0 =	seq.s32 s7, s2  }
0x1e: {  	s7 =	smul.u32 @!p0 $0xF7A, s2;
	p2 =	seq.s32 @!p0 s5, $0x0  }
0x1f: {  	s9 =	smul.u32 $0xF7A, s1;
	s8 =	simm.s32 @!p0 $0x1BF5;
	p2 =	por !p2, p0  }
0x20: {  	[sflag:s8] =	ssyncset.s32 @!p0 $0xFFFFF086;
	s6 =	sadd.s32 @!p0 s3, s7;
	s7 =	simm.s32 @!p0 $0x108  }
0x21: {  	s3 =	sadd.s32 s3, s9;
	s6 =	sadd.s32 @!p0 $0x88, s6;
	s7 =	simm.s32 @p2 $0x1082  }
0x22: {  	[simem:s7], [sflag:s8] =	dma.local @!p0 [hbm:s6], $0xF7A  }
0x23: {  	s9 =	sor.u32 $0xD0000000, s2;
	s6 =	simm.s32 $0x108;
	_ =	swait.ge @!p0 [sflag:s8], $0x0  }
0x24: {  	s3 =	sadd.s32 $0x88, s3;
	s6 =	simm.s32 @!p1 $0x1082;
	[sflag:s4] =	ssyncset.s32 $0xFFFFF086  }
0x25: {  	[simem:s6], [sflag:s4] =	dma.local [hbm:s3], $0xF7A  }
0x26: {  	[smem:$0x3F9F] =	sst s1;
	(tag) =	ssettag s2;
	_ =	strace s9  }
0x27: {  	s1 =	sld [smem:$0x3FAF]  }
0x28: {  	s2 =	sld [smem:$0x3FB0]  }
0x29: {  	s4 =	sld [smem:$0x3FB2]  }
0x2a: {  	p0 =	seq.s32 s5, $0x0;
	s5 =	sld [smem:$0x3FB3]  }
0x2b: {  	s6 =	sld [smem:$0x3FB4]  }
0x2c: {  	s7 =	sld [smem:$0x3FB5]  }
0x2d: {  	s3 =	simm.s32 $0x108;
	s8 =	sld [smem:$0x3FB6]  }
0x2e: {  	s3 =	simm.s32 @!p0 $0x1082;
	s9 =	sld [smem:$0x3FB7]  }
0x2f: {  	lr =	sadd.s32 s0, s3;
	s0 =	sld [smem:$0x3FAE]  }
0x30: {  	s3 =	sld [smem:$0x3FB1]  }
0x31: {  	[smem:$0x3FBA] =	sst s10  }
0x32: {  	s10 =	sld [smem:$0x3FB8];
	_ =	sdelay $0x3  }
0x33: {  	p0 =	seq.s32 s10, $0x1;
	s10 =	sld [smem:$0x3FBA];
	_ =	sdelay $0x3  }
0x34: {  	[smem:$0x3FBA] =	sst s10  }
0x35: {  	s10 =	sld [smem:$0x3FB9];
	_ =	sdelay $0x3  }
0x36: {  	p1 =	seq.s32 s10, $0x1;
	s10 =	sld [smem:$0x3FBA];
	_ =	sdelay $0x3  }
0x37: {  	[smem:$0x3FBA] =	sst s10  }
0x38: {  	s10 =	sld [smem:$0x3FBB]  }
0x39: {  	_ = 	snop;
	(pc) =	sbr.ind lr, $3  }
0x3a: {  	_ = 	snop  }
0x3b: {  	_ = 	snop  }
0x3c: {  	p2 =	seq.s32 s10, $0x1;
	s10 =	sld [smem:$0x3FBA]  }
0x3d: {  	_ =	shalt  }
0x3e: {  	_ =	shalt  }
0x3f: {  	_ =	shalt  }
0x40: {  	_ =	shalt  }
0x41: {  	_ =	shalt  }
0x42: {  	_ =	shalt  }
0x43: {  	_ =	shalt  }
0x44: {  	_ =	shalt  }
0x45: {  	_ =	shalt  }
0x46: {  	_ =	shalt  }
0x47: {  	_ =	shalt  }
0x48: {  	_ =	shalt  }
0x49: {  	_ =	shalt  }
0x4a: {  	_ =	shalt  }
0x4b: {  	_ =	shalt  }
0x4c: {  	_ =	shalt  }
0x4d: {  	_ =	shalt  }
0x4e: {  	_ =	shalt  }
0x4f: {  	_ =	shalt  }
0x50: {  	_ =	shalt  }
0x51: {  	_ =	shalt  }
0x52: {  	_ =	shalt  }
0x53: {  	_ =	shalt  }
0x54: {  	_ =	shalt  }
0x55: {  	_ =	shalt  }
0x56: {  	_ =	shalt  }
0x57: {  	_ =	shalt  }
0x58: {  	_ =	shalt  }
0x59: {  	_ =	shalt  }
0x5a: {  	_ =	shalt  }
0x5b: {  	_ =	shalt  }
0x5c: {  	_ =	shalt  }
0x5d: {  	_ =	shalt  }
0x5e: {  	_ =	shalt  }
0x5f: {  	_ =	shalt  }
0x60: {  	_ =	shalt  }
0x61: {  	_ =	shalt  }
0x62: {  	_ =	shalt  }
0x63: {  	_ =	shalt  }
0x64: {  	_ =	shalt  }
0x65: {  	_ =	shalt  }
0x66: {  	_ =	shalt  }
0x67: {  	_ =	shalt  }
0x68: {  	_ =	shalt  }
0x69: {  	_ =	shalt  }
0x6a: {  	_ =	shalt  }
0x6b: {  	_ =	shalt  }
0x6c: {  	_ =	shalt  }
0x6d: {  	_ =	shalt  }
0x6e: {  	_ =	shalt  }
0x6f: {  	_ =	shalt  }
0x70: {  	_ =	shalt  }
0x71: {  	_ =	shalt  }
0x72: {  	_ =	shalt  }
0x73: {  	_ =	shalt  }
0x74: {  	_ =	shalt  }
0x75: {  	_ =	shalt  }
0x76: {  	_ =	shalt  }
0x77: {  	_ =	shalt  }
0x78: {  	_ =	shalt  }
0x79: {  	_ =	shalt  }
0x7a: {  	_ =	shalt  }
0x7b: {  	_ =	shalt  }
0x7c: {  	_ =	shalt  }
0x7d: {  	_ =	shalt  }
0x7e: {  	_ =	shalt  }
0x7f: {  	_ =	shalt  }
0x80: {  	_ =	shalt  }
0x81: {  	_ =	shalt  }
0x82: {  	_ =	shalt  }
0x83: {  	_ =	shalt  }
0x84: {  	_ =	shalt  }
0x85: {  	_ =	shalt  }
0x86: {  	_ =	shalt  }
0x87: {  	_ =	shalt  }
.Lfunc_end0:
.L_simem_size_0:
called_computation_lowered:
.L_overlay_start_0:
0x88: {  	s2 =	sld [smem:$0x3FD9]  }
0x89: {  	s3 =	sld [smem:$0x3FFE];
	_ =	sdelay $0x1  }
0x8a: {  	s1 =	srdreg.scid  }
0x8b: {  	s0 =	sand.u32 $0x1, s1  }
0x8c: {  	s16 =	sshll.u32 s0, $0xA;
	s2 =	sadd.s32 s3, s2  }
0x8d: {  	s2 =	sadd.s32 s2, s16  }
0x8e: {  	[smem:$0x3FC6] =	sst s2  }
0x8f: {  	_ = 	snop  }
0x90: {  	(tm) =	ssettm $0x1  }
0x91: {  	s17 =	sld [smem:$0x3FFB];
	_ =	sdelay $0x3  }
0x92: {  	_ =	strace s17  }
0x93: {  	s2 =	sld [smem:$0x3FFC];
	_ =	sdelay $0x3  }
0x94: {  	_ =	strace s2  }
0x95: {  	s2 =	sld [smem:$0x3FFD];
	_ =	sdelay $0x3  }
0x96: {  	_ =	strace s2  }
0x97: {  	_ =	strace $0x8FFFFFFF  }
0x98: {  	s18 =	sld [smem:$0x3FDB];
	_ =	sdelay $0x1  }
0x99: {  	s19 =	simm.s32 $_scs_section_size  }
0x9a: {  	s4 =	simm.s32 $_size__tile_overlayer_lowered;
	s5 =	simm.s32 $_tile_overlayer_lowered  }
0x9b: {  	s22 =	simm.s32 $0x1BFF;
	s21 =	sshll.u32 s5, $0x1;
	s2 =	sadd.s32 s19, s18  }
0x9c: {  	s6 =	simm.s32 $0x0;
	s20 =	sshll.u32 s4, $0x1;
	s4 =	sadd.s32 s21, s2  }
0x9d: {  	[timem:s6], [sflag:s22] =	dma.local [hbm:s4], s20  }
0x9e: {  	_ =	swait.ge [sflag:s22], s20  }
0x9f: {  	s3 =	ssub.s32 $0x0, s20;
	[sflag:s22] =	ssyncset.done $0x0  }
0xa0: {  	[sflag:s22] =	ssyncadd.s32 s3;
	_ =	sdelay $0x1  }
0xa1: {  	s23 =	simm.s32 $0x1B8B  }
0xa2: {  	_ =	swait.ge [sflag:s23], $0x1  }
0xa3: {  	[sflag:s23] =	ssyncset.done $0x0  }
0xa4: {  	s25 =	simm.s32 $0x1B8E;
	s24 =	sld [smem:$0x3FFE];
	[sflag:s23] =	ssyncadd.s32 $0xFFFFFFFF  }
0xa5: {  	s26 =	simm.s32 $execute0_lowered;
	[smem:$0x3FD2] =	sst s25  }
0xa6: {  	s4 =	sshll.u32 s26, $0x1;
	_ =	strace $0x80000046;
	[dreg:$0x1] =	wrdreg $0xFFFFFFFF  }
0xa7: {  	s28 =	simm.s32 $_size_execute0_lowered;
	s2 =	sadd.s32 s2, s4;
	[dreg:$0x0] =	wrdreg $0x0  }
0xa8: {  	s4 =	sshll.u32 s28, $0x1;
	[dreg:$0x2] =	wrdreg s2  }
0xa9: {  	[dreg:$0x3] =	wrdreg s4  }
0xaa: {  	[dreg:$0x4] =	wrdreg $0xC0  }
0xab: {  	_ =	task [dreg:s6], $0x5FFFF  }
0xac: {  	[dreg:$0x1] =	wrdreg $0xFFFFFFFF  }
0xad: {  	[dreg:$0x0] =	wrdreg $0x60  }
0xae: {  	[dreg:$0x2] =	wrdreg s24  }
0xaf: {  	[dreg:$0x3] =	wrdreg $0x9  }
0xb0: {  	_ =	task.clear_ibuf [dreg:s6], $0x4FFFF;
	_ =	strace $0x90000046  }
0xb1: {  	s29 =	simm.s32 $0x9;
	_ =	strace $0x80000048  }
0xb2: {  	_ =	swait.ge [sflag:s29], $0x1  }
0xb3: {  	[sflag:s29] =	ssyncadd.s32 $0xFFFFFFFF  }
0xb4: {  	_ =	strace $0x90000048  }
0xb5: {  	_ =	sfence  }
0xb6: {  	s30 =	sld [smem:$0x0];
	_ =	sdelay $0x2  }
0xb7: {  	s31 =	sshll.u32 s1, $0xD;
	s1 =	sshrl.u32 s1, $0x2  }
0xb8: {  	s3 =	sand.u32 $0x4000, s31;
	s1 =	sadd.s32 s1, s30  }
0xb9: {  	s0 =	sor.u32 s3, s0;
	s1 =	sshll.u32 s1, $0x11  }
0xba: {  	s0 =	sor.u32 s1, s0  }
0xbb: {  	s0 =	sadd.s32 $0x8F2B, s0  }
0xbc: {  	[sflag:s0] =	ssyncadd.remote.s32 $0x1  }
0xbd: {  	_ =	sfence.sel $0xFFFF  }
0xbe: {  	[dreg:$0x0] =	wrdreg $0xFFFFFFFF;
	(pc) =	sbr.abs _section_cstart, $3  }
0xbf: {  	[dreg:$0x1] =	wrdreg $0xFFFFFFFF  }
0xc0: {  	_ =	task.clear_ibuf [dreg:s6], $0x2FFFF;
	_ =	strace $0x9FFFFFFF  }
0xc1: {  	(tm) =	ssettm $0x7FFFFFFF  }
tec
execute0_lowered:
.L_overlay_start_1:
0x0: {  	(tag) =	ssettag $0x1  }
0x1: {  	s1 =	srdreg.scid  }
0x2: {  	s0 =	stileid.u32;
	s5 =	rddreg [dreg:$0x0];
	s2 =	simm.s32 $0x0  }
0x3: {  	s15 =	simm.s32 $0x400;
	s16 =	simm.s32 $0x4000;
	s17 =	simm.s32 $0x1  }
0x4: {  	s18 =	simm.s32 $0x8000;
	s19 =	simm.s32 $0x10000;
	s20 =	simm.s32 $0x2  }
0x5: {  	s3 =	sand.u32 $0x1, s1;
	s21 =	sshll.u32 s0, $0x1;
	s1 =	rddreg [dreg:$0x1]  }
0x6: {  	s6 =	sshll.u32 s0, $0xD;
	[smem:$0x7FF] =	sst s2;
	s10 =	sadd.s32 $0xE00, s5  }
0x7: {  	s4 =	sor.u32 s3, s21;
	_ =	strace $0x80000047;
	s22 =	ssub.s32 $0x2, s3  }
0x8: {  	s8 =	sshll.u32 s3, $0x9;
	s21 =	simm.s32 $0x0;
	s7 =	sshll.u32 s4, $0x4  }
0x9: {  	s9 =	sshll.u32 s4, $0x11;
	s23 =	sshrl.u32 s22, $0x1;
	s25 =	sor.u32 $0x80, s8  }
0xa: {  	s14 =	sor.u32 $0x100, s8;
	s6 =	sor.u32 s6, s7;
	s11 =	sand.u32 $0x3C0000, s9  }
0xb: {  	s4 =	sor.u32 s8, s9;
	s13 =	ssub.s32 s22, s23;
	s26 =	sor.u32 s25, s9  }
0xc: {  	s6 =	sand.u32 $0x18070, s6;
	s24 =	sor.u32 s8, s11;
	s4 =	sshrl.u32 s4, $0x3  }
0xd: {  	s28 =	sor.u32 s14, s11;
	s14 =	sor.u32 s14, s9;
	s8 =	sor.u32 $0x180, s8  }
0xe: {  	s13 =	smax.u32 s13, $0x1;
	s12 =	sadd.s32 s6, s5;
	s3 =	sshrl.u32 s24, $0x3  }
0xf: {  	s4 =	sor.u32 $0x4000, s4;
	s5 =	sor.u32 s25, s11;
	s6 =	sshrl.u32 s26, $0x3  }
0x10: {  	s7 =	sshrl.u32 s28, $0x3;
	s14 =	sshrl.u32 s14, $0x3;
	s11 =	sor.u32 s8, s11  }
0x11: {  	s8 =	sor.u32 s8, s9;
	s3 =	sadd.s32 s10, s3;
	s4 =	sadd.s32 s10, s4  }
0x12: {  	s5 =	sshrl.u32 s5, $0x3;
	s6 =	sor.u32 $0x4000, s6;
	s7 =	sadd.s32 s10, s7  }
0x13: {  	s29 =	sor.u32 $0x4000, s14;
	s11 =	sshrl.u32 s11, $0x3;
	s30 =	sshrl.u32 s8, $0x3  }
0x14: {  	s14 =	simm.s32 $0x80;
	s5 =	sadd.s32 s10, s5;
	s6 =	sadd.s32 s10, s6  }
0x15: {  	s8 =	sadd.s32 s10, s29;
	s9 =	sadd.s32 s10, s11;
	s31 =	sor.u32 $0x4000, s30  }
0x16: {  	v0 =	vimm.s32 $0x0;
	v1 =	vimm.f32 $0.0e+00;
	v2 =	vimm.s32 $0x1;
	s11 =	sadd.s32 $0x80E00, s12;
	s12 =	sadd.s32 $0xA0E00, s12;
	s10 =	sadd.s32 s10, s31  }
.LBB2_1:
0x17: {  	[tilespmem:s2], [sflag:$0x1] =	stream.strided.gather [hbm4b:s3+s14], $0x4000, s15, s14, $0x38;
	[tilespmem:$0x18000] =	vst v63  }
0x18: {  	s22 =	simm.s32 $0x8040  }
0x19: {  	[tilespmem:s22+$0x30] =	vst v0  }
0x1a: {  	[tilespmem:s22+$0xFFFFFFF0] =	vst v0  }
0x1b: {  	[tilespmem:s22+$0xFFFFFFC0] =	vst v0  }
0x1c: {  	[tilespmem:s22+$0xFFFFFFE0] =	vst v0  }
0x1d: {  	[tilespmem:s22+$0x10] =	vst v0  }
0x1e: {  	[tilespmem:s22+$0x20] =	vst v0  }
0x1f: {  	[tilespmem:s22+$0x0] =	vst v0  }
0x20: {  	s23 =	simm.s32 $0x10040;
	[tilespmem:s22+$0xFFFFFFD0] =	vst v0  }
0x21: {  	[tilespmem:s23+$0xFFFFFFC0] =	vst v1  }
0x22: {  	[tilespmem:s23+$0x30] =	vst v1  }
0x23: {  	[tilespmem:s23+$0x20] =	vst v1  }
0x24: {  	[tilespmem:s23+$0x10] =	vst v1  }
0x25: {  	[tilespmem:s23+$0xFFFFFFE0] =	vst v1  }
0x26: {  	[tilespmem:s23+$0x0] =	vst v1  }
0x27: {  	s24 =	simm.s32 $0x0;
	[tilespmem:s23+$0xFFFFFFF0] =	vst v1  }
.LBB2_2:
0x28: {  	s24 =	sadd.s32 $0x8, s24;
	[tilespmem:s23+$0xFFFFFFD0] =	vst v1;
	s22 =	sadd.s32 $0x80, s22;
	s23 =	sadd.s32 $0x80, s23  }
0x29: {  	[tilespmem:s22+$0x30] =	vst v0;
	p0 =	slt.u32 s24, $0x7F8  }
0x2a: {  	[tilespmem:s22+$0xFFFFFFF0] =	vst v0  }
0x2b: {  	[tilespmem:s22+$0xFFFFFFC0] =	vst v0  }
0x2c: {  	[tilespmem:s23+$0xFFFFFFC0] =	vst v1  }
0x2d: {  	[tilespmem:s23+$0x30] =	vst v1  }
0x2e: {  	[tilespmem:s22+$0xFFFFFFE0] =	vst v0  }
0x2f: {  	[tilespmem:s22+$0x10] =	vst v0  }
0x30: {  	[tilespmem:s22+$0x20] =	vst v0  }
0x31: {  	[tilespmem:s23+$0x20] =	vst v1  }
0x32: {  	[tilespmem:s23+$0x10] =	vst v1  }
.Ltmp0:
0x33: {  	[tilespmem:s23+$0xFFFFFFE0] =	vst v1;
	(pc) =	sbr.rel @p0 .LBB2_2-.Ltmp0, $4  }
0x34: {  	[tilespmem:s22+$0x0] =	vst v0  }
0x35: {  	[tilespmem:s23+$0x0] =	vst v1  }
0x36: {  	[tilespmem:s23+$0xFFFFFFF0] =	vst v1  }
0x37: {  	[tilespmem:s22+$0xFFFFFFD0] =	vst v0  }
0x38: {  	[tilespmem:s23+$0xFFFFFFD0] =	vst v1;
	s22 =	simm.s32 $0x80  }
0x39: {  	[tilespmem:s16], [sflag:$0x2] =	stream.strided.gather [hbm4b:s4+s22], $0x4000, s15, s22, $0x38;
	[tilespmem:$0x18000] =	vst v63  }
0x3a: {  	_ =	swait.ge [sflag:s17], $0x4000  }
0x3b: {  	[sflag:s17] =	ssyncset.done $0x0  }
0x3c: {  	[sflag:s17] =	ssyncadd.s32 $0xFFFFC000  }
0x3d: {  	v5 =	vld [tilespmem:s22+$0xFFFFFFF0]  }
0x3e: {  	v17 =	vld [tilespmem:s22+$0x0]  }
0x3f: {  	v10 =	vld [tilespmem:s22+$0x10]  }
0x40: {  	v11 =	vld [tilespmem:s22+$0x20]  }
0x41: {  	v8 =	vld [tilespmem:s22+$0xFFFFFF80]  }
0x42: {  	v9 =	vld [tilespmem:s22+$0x70]  }
0x43: {  	v15 =	vld [tilespmem:s22+$0x50]  }
0x44: {  	v18 =	vld [tilespmem:s22+$0x30]  }
0x45: {  	v3 =	vld [tilespmem:s22+$0xFFFFFF90]  }
0x46: {  	v4 =	vld [tilespmem:s22+$0xFFFFFFA0];
	v12 =	vshra.s32 v8, $0x11  }
0x47: {  	v6 =	vld [tilespmem:s22+$0xFFFFFFB0];
	v14 =	vshra.s32 v9, $0x11  }
0x48: {  	v7 =	vld [tilespmem:s22+$0xFFFFFFC0];
	v19 =	vshra.s32 v15, $0x11  }
0x49: {  	v13 =	vld [tilespmem:s22+$0x60];
	v20 =	vshra.s32 v18, $0x11  }
0x4a: {  	v16 =	vld [tilespmem:s22+$0x40]  }
0x4b: {  	[tilespmem:v12+s18+$0x0] =	vst.idx.add.s32.msk $0xffff, v2  }
0x4c: {  	[tilespmem:v14+s18+$0x0] =	vst.idx.add.s32.msk $0xffff, v2  }
0x4d: {  	[tilespmem:v19+s18+$0x0] =	vst.idx.add.s32.msk $0xffff, v2  }
0x4e: {  	[tilespmem:v20+s18+$0x0] =	vst.idx.add.s32.msk $0xffff, v2  }
0x4f: {  	[tilespmem:v12+s19+$0x0] =	vst.idx.add.f32.msk $0xffff, v8  }
0x50: {  	v12 =	vshra.s32 v13, $0x11;
	[tilespmem:v14+s19+$0x0] =	vst.idx.add.f32.msk $0xffff, v9  }
0x51: {  	v9 =	vld [tilespmem:s22+$0xFFFFFFE0]  }
0x52: {  	v14 =	vshra.s32 v16, $0x11;
	v8 =	vld [tilespmem:s22+$0xFFFFFFD0]  }
0x53: {  	[tilespmem:v19+s19+$0x0] =	vst.idx.add.f32.msk $0xffff, v15;
	v19 =	vshra.s32 v17, $0x11  }
0x54: {  	[tilespmem:v20+s19+$0x0] =	vst.idx.add.f32.msk $0xffff, v18  }
0x55: {  	[tilespmem:v12+s18+$0x0] =	vst.idx.add.s32.msk $0xffff, v2  }
0x56: {  	[tilespmem:v12+s19+$0x0] =	vst.idx.add.f32.msk $0xffff, v13;
	v12 =	vshra.s32 v11, $0x11  }
0x57: {  	[tilespmem:v14+s18+$0x0] =	vst.idx.add.s32.msk $0xffff, v2;
	v13 =	vshra.s32 v10, $0x11  }
0x58: {  	[tilespmem:v19+s18+$0x0] =	vst.idx.add.s32.msk $0xffff, v2  }
0x59: {  	[tilespmem:v14+s19+$0x0] =	vst.idx.add.f32.msk $0xffff, v16  }
0x5a: {  	v15 =	vshra.s32 v5, $0x11;
	[tilespmem:v19+s19+$0x0] =	vst.idx.add.f32.msk $0xffff, v17  }
0x5b: {  	v16 =	vshra.s32 v9, $0x11;
	[tilespmem:v12+s18+$0x0] =	vst.idx.add.s32.msk $0xffff, v2  }
0x5c: {  	[tilespmem:v13+s18+$0x0] =	vst.idx.add.s32.msk $0xffff, v2  }
0x5d: {  	v14 =	vshra.s32 v8, $0x11;
	[tilespmem:v12+s19+$0x0] =	vst.idx.add.f32.msk $0xffff, v11;
	v11 =	vshra.s32 v7, $0x11  }
0x5e: {  	s23 =	simm.s32 $0x0;
	[tilespmem:v13+s19+$0x0] =	vst.idx.add.f32.msk $0xffff, v10;
	v12 =	vshra.s32 v6, $0x11;
	v13 =	vshra.s32 v4, $0x11;
	v10 =	vshra.s32 v3, $0x11  }
.LBB2_4:
0x5f: {  	s23 =	sadd.s32 $0x10, s23;
	[tilespmem:v15+s18+$0x0] =	vst.idx.add.s32.msk $0xffff, v2;
	s22 =	sadd.s32 $0x100, s22  }
0x60: {  	p0 =	slt.u32 s23, $0x3F0;
	[tilespmem:v16+s18+$0x0] =	vst.idx.add.s32.msk $0xffff, v2  }
0x61: {  	[tilespmem:v15+s19+$0x0] =	vst.idx.add.f32.msk $0xffff, v5  }
0x62: {  	[tilespmem:v16+s19+$0x0] =	vst.idx.add.f32.msk $0xffff, v9  }
0x63: {  	[tilespmem:v14+s18+$0x0] =	vst.idx.add.s32.msk $0xffff, v2  }
0x64: {  	[tilespmem:v11+s18+$0x0] =	vst.idx.add.s32.msk $0xffff, v2  }
0x65: {  	[tilespmem:v14+s19+$0x0] =	vst.idx.add.f32.msk $0xffff, v8  }
0x66: {  	[tilespmem:v12+s18+$0x0] =	vst.idx.add.s32.msk $0xffff, v2  }
0x67: {  	[tilespmem:v11+s19+$0x0] =	vst.idx.add.f32.msk $0xffff, v7  }
0x68: {  	[tilespmem:v13+s18+$0x0] =	vst.idx.add.s32.msk $0xffff, v2  }
0x69: {  	[tilespmem:v12+s19+$0x0] =	vst.idx.add.f32.msk $0xffff, v6  }
0x6a: {  	[tilespmem:v13+s19+$0x0] =	vst.idx.add.f32.msk $0xffff, v4  }
0x6b: {  	[tilespmem:v10+s18+$0x0] =	vst.idx.add.s32.msk $0xffff, v2  }
0x6c: {  	[tilespmem:v10+s19+$0x0] =	vst.idx.add.f32.msk $0xffff, v3  }
0x6d: {  	v5 =	vld [tilespmem:s22+$0xFFFFFFF0]  }
0x6e: {  	v17 =	vld [tilespmem:s22+$0x0]  }
0x6f: {  	v18 =	vld [tilespmem:s22+$0x10]  }
0x70: {  	v19 =	vld [tilespmem:s22+$0x20]  }
0x71: {  	v8 =	vld [tilespmem:s22+$0xFFFFFF80]  }
0x72: {  	v9 =	vld [tilespmem:s22+$0x70]  }
0x73: {  	v3 =	vld [tilespmem:s22+$0xFFFFFF90]  }
0x74: {  	v4 =	vld [tilespmem:s22+$0xFFFFFFA0]  }
0x75: {  	v6 =	vld [tilespmem:s22+$0xFFFFFFB0]  }
0x76: {  	v10 =	vshra.s32 v8, $0x11;
	v7 =	vld [tilespmem:s22+$0xFFFFFFC0]  }
0x77: {  	v11 =	vld [tilespmem:s22+$0x60];
	v12 =	vshra.s32 v9, $0x11  }
0x78: {  	v13 =	vld [tilespmem:s22+$0x50]  }
0x79: {  	v20 =	vld [tilespmem:s22+$0x40]  }
0x7a: {  	v21 =	vld [tilespmem:s22+$0x30]  }
0x7b: {  	[tilespmem:v10+s18+$0x0] =	vst.idx.add.s32.msk $0xffff, v2  }
0x7c: {  	[tilespmem:v10+s19+$0x0] =	vst.idx.add.f32.msk $0xffff, v8;
	v10 =	vshra.s32 v11, $0x11  }
0x7d: {  	v14 =	vshra.s32 v13, $0x11;
	[tilespmem:v12+s18+$0x0] =	vst.idx.add.s32.msk $0xffff, v2  }
0x7e: {  	v22 =	vshra.s32 v20, $0x11;
	[tilespmem:v12+s19+$0x0] =	vst.idx.add.f32.msk $0xffff, v9  }
0x7f: {  	v9 =	vld [tilespmem:s22+$0xFFFFFFE0];
	v23 =	vshra.s32 v21, $0x11  }
0x80: {  	v24 =	vshra.s32 v19, $0x11;
	v8 =	vld [tilespmem:s22+$0xFFFFFFD0]  }
0x81: {  	v25 =	vshra.s32 v18, $0x11;
	[tilespmem:v10+s18+$0x0] =	vst.idx.add.s32.msk $0xffff, v2  }
0x82: {  	v26 =	vshra.s32 v17, $0x11;
	[tilespmem:v10+s19+$0x0] =	vst.idx.add.f32.msk $0xffff, v11  }
0x83: {  	v15 =	vshra.s32 v5, $0x11;
	[tilespmem:v14+s18+$0x0] =	vst.idx.add.s32.msk $0xffff, v2  }
0x84: {  	v16 =	vshra.s32 v9, $0x11;
	[tilespmem:v14+s19+$0x0] =	vst.idx.add.f32.msk $0xffff, v13  }
0x85: {  	v14 =	vshra.s32 v8, $0x11;
	[tilespmem:v22+s18+$0x0] =	vst.idx.add.s32.msk $0xffff, v2  }
0x86: {  	v11 =	vshra.s32 v7, $0x11;
	[tilespmem:v22+s19+$0x0] =	vst.idx.add.f32.msk $0xffff, v20  }
0x87: {  	v12 =	vshra.s32 v6, $0x11;
	[tilespmem:v23+s18+$0x0] =	vst.idx.add.s32.msk $0xffff, v2  }
0x88: {  	v13 =	vshra.s32 v4, $0x11;
	[tilespmem:v23+s19+$0x0] =	vst.idx.add.f32.msk $0xffff, v21  }
0x89: {  	v10 =	vshra.s32 v3, $0x11;
	[tilespmem:v24+s18+$0x0] =	vst.idx.add.s32.msk $0xffff, v2  }
.Ltmp1:
0x8a: {  	[tilespmem:v25+s18+$0x0] =	vst.idx.add.s32.msk $0xffff, v2;
	(pc) =	sbr.rel @p0 .LBB2_4-.Ltmp1, $4  }
0x8b: {  	[tilespmem:v24+s19+$0x0] =	vst.idx.add.f32.msk $0xffff, v19  }
0x8c: {  	[tilespmem:v26+s18+$0x0] =	vst.idx.add.s32.msk $0xffff, v2  }
0x8d: {  	[tilespmem:v25+s19+$0x0] =	vst.idx.add.f32.msk $0xffff, v18  }
0x8e: {  	[tilespmem:v26+s19+$0x0] =	vst.idx.add.f32.msk $0xffff, v17  }
0x8f: {  	_ =	sdelay $0x3  }
0x90: {  	[tilespmem:v15+s18+$0x0] =	vst.idx.add.s32.msk $0xffff, v2  }
0x91: {  	[tilespmem:v16+s18+$0x0] =	vst.idx.add.s32.msk $0xffff, v2  }
0x92: {  	[tilespmem:v14+s18+$0x0] =	vst.idx.add.s32.msk $0xffff, v2  }
0x93: {  	[tilespmem:v11+s18+$0x0] =	vst.idx.add.s32.msk $0xffff, v2  }
0x94: {  	[tilespmem:v12+s18+$0x0] =	vst.idx.add.s32.msk $0xffff, v2  }
0x95: {  	[tilespmem:v13+s18+$0x0] =	vst.idx.add.s32.msk $0xffff, v2  }
0x96: {  	[tilespmem:v10+s18+$0x0] =	vst.idx.add.s32.msk $0xffff, v2  }
0x97: {  	[tilespmem:v15+s19+$0x0] =	vst.idx.add.f32.msk $0xffff, v5  }
0x98: {  	[tilespmem:v16+s19+$0x0] =	vst.idx.add.f32.msk $0xffff, v9  }
0x99: {  	[tilespmem:v14+s19+$0x0] =	vst.idx.add.f32.msk $0xffff, v8  }
0x9a: {  	[tilespmem:v11+s19+$0x0] =	vst.idx.add.f32.msk $0xffff, v7  }
0x9b: {  	[tilespmem:v12+s19+$0x0] =	vst.idx.add.f32.msk $0xffff, v6  }
0x9c: {  	[tilespmem:v13+s19+$0x0] =	vst.idx.add.f32.msk $0xffff, v4  }
0x9d: {  	[tilespmem:v10+s19+$0x0] =	vst.idx.add.f32.msk $0xffff, v3  }
0x9e: {  	[tilespmem:s2], [sflag:$0x1] =	stream.strided.gather [hbm4b:s5+s14], $0x4000, s15, s14, $0x38;
	[tilespmem:$0x18000] =	vst v63  }
0x9f: {  	_ =	swait.ge [sflag:s20], $0x4000  }
0xa0: {  	[sflag:s20] =	ssyncset.done $0x0  }
0xa1: {  	s22 =	simm.s32 $0x4080;
	[sflag:s20] =	ssyncadd.s32 $0xFFFFC000  }
0xa2: {  	v5 =	vld [tilespmem:s22+$0xFFFFFFF0]  }
0xa3: {  	v17 =	vld [tilespmem:s22+$0x0]  }
0xa4: {  	v10 =	vld [tilespmem:s22+$0x10]  }
0xa5: {  	v11 =	vld [tilespmem:s22+$0x20]  }
0xa6: {  	v8 =	vld [tilespmem:s22+$0xFFFFFF80]  }
0xa7: {  	v9 =	vld [tilespmem:s22+$0x70]  }
0xa8: {  	v15 =	vld [tilespmem:s22+$0x50]  }
0xa9: {  	v18 =	vld [tilespmem:s22+$0x30]  }
0xaa: {  	v3 =	vld [tilespmem:s22+$0xFFFFFF90]  }
0xab: {  	v4 =	vld [tilespmem:s22+$0xFFFFFFA0];
	v12 =	vshra.s32 v8, $0x11  }
0xac: {  	v6 =	vld [tilespmem:s22+$0xFFFFFFB0];
	v14 =	vshra.s32 v9, $0x11  }
0xad: {  	v7 =	vld [tilespmem:s22+$0xFFFFFFC0];
	v19 =	vshra.s32 v15, $0x11  }
0xae: {  	v13 =	vld [tilespmem:s22+$0x60];
	v20 =	vshra.s32 v18, $0x11  }
0xaf: {  	v16 =	vld [tilespmem:s22+$0x40]  }
0xb0: {  	[tilespmem:v12+s18+$0x0] =	vst.idx.add.s32.msk $0xffff, v2  }
0xb1: {  	[tilespmem:v14+s18+$0x0] =	vst.idx.add.s32.msk $0xffff, v2  }
0xb2: {  	[tilespmem:v19+s18+$0x0] =	vst.idx.add.s32.msk $0xffff, v2  }
0xb3: {  	[tilespmem:v20+s18+$0x0] =	vst.idx.add.s32.msk $0xffff, v2  }
0xb4: {  	[tilespmem:v12+s19+$0x0] =	vst.idx.add.f32.msk $0xffff, v8  }
0xb5: {  	v12 =	vshra.s32 v13, $0x11;
	[tilespmem:v14+s19+$0x0] =	vst.idx.add.f32.msk $0xffff, v9  }
0xb6: {  	v9 =	vld [tilespmem:s22+$0xFFFFFFE0]  }
0xb7: {  	v14 =	vshra.s32 v16, $0x11;
	v8 =	vld [tilespmem:s22+$0xFFFFFFD0]  }
0xb8: {  	[tilespmem:v19+s19+$0x0] =	vst.idx.add.f32.msk $0xffff, v15;
	v19 =	vshra.s32 v17, $0x11  }
0xb9: {  	[tilespmem:v20+s19+$0x0] =	vst.idx.add.f32.msk $0xffff, v18  }
0xba: {  	[tilespmem:v12+s18+$0x0] =	vst.idx.add.s32.msk $0xffff, v2  }
0xbb: {  	[tilespmem:v12+s19+$0x0] =	vst.idx.add.f32.msk $0xffff, v13;
	v12 =	vshra.s32 v11, $0x11  }
0xbc: {  	[tilespmem:v14+s18+$0x0] =	vst.idx.add.s32.msk $0xffff, v2;
	v13 =	vshra.s32 v10, $0x11  }
0xbd: {  	[tilespmem:v19+s18+$0x0] =	vst.idx.add.s32.msk $0xffff, v2  }
0xbe: {  	[tilespmem:v14+s19+$0x0] =	vst.idx.add.f32.msk $0xffff, v16  }
0xbf: {  	v15 =	vshra.s32 v5, $0x11;
	[tilespmem:v19+s19+$0x0] =	vst.idx.add.f32.msk $0xffff, v17  }
0xc0: {  	v16 =	vshra.s32 v9, $0x11;
	[tilespmem:v12+s18+$0x0] =	vst.idx.add.s32.msk $0xffff, v2  }
0xc1: {  	[tilespmem:v13+s18+$0x0] =	vst.idx.add.s32.msk $0xffff, v2  }
0xc2: {  	v14 =	vshra.s32 v8, $0x11;
	[tilespmem:v12+s19+$0x0] =	vst.idx.add.f32.msk $0xffff, v11;
	v11 =	vshra.s32 v7, $0x11  }
0xc3: {  	s23 =	simm.s32 $0x0;
	[tilespmem:v13+s19+$0x0] =	vst.idx.add.f32.msk $0xffff, v10;
	v12 =	vshra.s32 v6, $0x11;
	v13 =	vshra.s32 v4, $0x11;
	v10 =	vshra.s32 v3, $0x11  }
.LBB2_6:
0xc4: {  	s23 =	sadd.s32 $0x10, s23;
	[tilespmem:v15+s18+$0x0] =	vst.idx.add.s32.msk $0xffff, v2;
	s22 =	sadd.s32 $0x100, s22  }
0xc5: {  	p0 =	slt.u32 s23, $0x3F0;
	[tilespmem:v16+s18+$0x0] =	vst.idx.add.s32.msk $0xffff, v2  }
0xc6: {  	[tilespmem:v15+s19+$0x0] =	vst.idx.add.f32.msk $0xffff, v5  }
0xc7: {  	[tilespmem:v16+s19+$0x0] =	vst.idx.add.f32.msk $0xffff, v9  }
0xc8: {  	[tilespmem:v14+s18+$0x0] =	vst.idx.add.s32.msk $0xffff, v2  }
0xc9: {  	[tilespmem:v11+s18+$0x0] =	vst.idx.add.s32.msk $0xffff, v2  }
0xca: {  	[tilespmem:v14+s19+$0x0] =	vst.idx.add.f32.msk $0xffff, v8  }
0xcb: {  	[tilespmem:v12+s18+$0x0] =	vst.idx.add.s32.msk $0xffff, v2  }
0xcc: {  	[tilespmem:v11+s19+$0x0] =	vst.idx.add.f32.msk $0xffff, v7  }
0xcd: {  	[tilespmem:v13+s18+$0x0] =	vst.idx.add.s32.msk $0xffff, v2  }
0xce: {  	[tilespmem:v12+s19+$0x0] =	vst.idx.add.f32.msk $0xffff, v6  }
0xcf: {  	[tilespmem:v13+s19+$0x0] =	vst.idx.add.f32.msk $0xffff, v4  }
0xd0: {  	[tilespmem:v10+s18+$0x0] =	vst.idx.add.s32.msk $0xffff, v2  }
0xd1: {  	[tilespmem:v10+s19+$0x0] =	vst.idx.add.f32.msk $0xffff, v3  }
0xd2: {  	v5 =	vld [tilespmem:s22+$0xFFFFFFF0]  }
0xd3: {  	v17 =	vld [tilespmem:s22+$0x0]  }
0xd4: {  	v18 =	vld [tilespmem:s22+$0x10]  }
0xd5: {  	v19 =	vld [tilespmem:s22+$0x20]  }
0xd6: {  	v8 =	vld [tilespmem:s22+$0xFFFFFF80]  }
0xd7: {  	v9 =	vld [tilespmem:s22+$0x70]  }
0xd8: {  	v3 =	vld [tilespmem:s22+$0xFFFFFF90]  }
0xd9: {  	v4 =	vld [tilespmem:s22+$0xFFFFFFA0]  }
0xda: {  	v6 =	vld [tilespmem:s22+$0xFFFFFFB0]  }
0xdb: {  	v10 =	vshra.s32 v8, $0x11;
	v7 =	vld [tilespmem:s22+$0xFFFFFFC0]  }
0xdc: {  	v11 =	vld [tilespmem:s22+$0x60];
	v12 =	vshra.s32 v9, $0x11  }
0xdd: {  	v13 =	vld [tilespmem:s22+$0x50]  }
0xde: {  	v20 =	vld [tilespmem:s22+$0x40]  }
0xdf: {  	v21 =	vld [tilespmem:s22+$0x30]  }
0xe0: {  	[tilespmem:v10+s18+$0x0] =	vst.idx.add.s32.msk $0xffff, v2  }
0xe1: {  	[tilespmem:v10+s19+$0x0] =	vst.idx.add.f32.msk $0xffff, v8;
	v10 =	vshra.s32 v11, $0x11  }
0xe2: {  	v14 =	vshra.s32 v13, $0x11;
	[tilespmem:v12+s18+$0x0] =	vst.idx.add.s32.msk $0xffff, v2  }
0xe3: {  	v22 =	vshra.s32 v20, $0x11;
	[tilespmem:v12+s19+$0x0] =	vst.idx.add.f32.msk $0xffff, v9  }
0xe4: {  	v9 =	vld [tilespmem:s22+$0xFFFFFFE0];
	v23 =	vshra.s32 v21, $0x11  }
0xe5: {  	v24 =	vshra.s32 v19, $0x11;
	v8 =	vld [tilespmem:s22+$0xFFFFFFD0]  }
0xe6: {  	v25 =	vshra.s32 v18, $0x11;
	[tilespmem:v10+s18+$0x0] =	vst.idx.add.s32.msk $0xffff, v2  }
0xe7: {  	v26 =	vshra.s32 v17, $0x11;
	[tilespmem:v10+s19+$0x0] =	vst.idx.add.f32.msk $0xffff, v11  }
0xe8: {  	v15 =	vshra.s32 v5, $0x11;
	[tilespmem:v14+s18+$0x0] =	vst.idx.add.s32.msk $0xffff, v2  }
0xe9: {  	v16 =	vshra.s32 v9, $0x11;
	[tilespmem:v14+s19+$0x0] =	vst.idx.add.f32.msk $0xffff, v13  }
0xea: {  	v14 =	vshra.s32 v8, $0x11;
	[tilespmem:v22+s18+$0x0] =	vst.idx.add.s32.msk $0xffff, v2  }
0xeb: {  	v11 =	vshra.s32 v7, $0x11;
	[tilespmem:v22+s19+$0x0] =	vst.idx.add.f32.msk $0xffff, v20  }
0xec: {  	v12 =	vshra.s32 v6, $0x11;
	[tilespmem:v23+s18+$0x0] =	vst.idx.add.s32.msk $0xffff, v2  }
0xed: {  	v13 =	vshra.s32 v4, $0x11;
	[tilespmem:v23+s19+$0x0] =	vst.idx.add.f32.msk $0xffff, v21  }
0xee: {  	v10 =	vshra.s32 v3, $0x11;
	[tilespmem:v24+s18+$0x0] =	vst.idx.add.s32.msk $0xffff, v2  }
.Ltmp2:
0xef: {  	[tilespmem:v25+s18+$0x0] =	vst.idx.add.s32.msk $0xffff, v2;
	(pc) =	sbr.rel @p0 .LBB2_6-.Ltmp2, $4  }
0xf0: {  	[tilespmem:v24+s19+$0x0] =	vst.idx.add.f32.msk $0xffff, v19  }
0xf1: {  	[tilespmem:v26+s18+$0x0] =	vst.idx.add.s32.msk $0xffff, v2  }
0xf2: {  	[tilespmem:v25+s19+$0x0] =	vst.idx.add.f32.msk $0xffff, v18  }
0xf3: {  	[tilespmem:v26+s19+$0x0] =	vst.idx.add.f32.msk $0xffff, v17  }
0xf4: {  	_ =	sdelay $0x3  }
0xf5: {  	[tilespmem:v15+s18+$0x0] =	vst.idx.add.s32.msk $0xffff, v2  }
0xf6: {  	[tilespmem:v16+s18+$0x0] =	vst.idx.add.s32.msk $0xffff, v2  }
0xf7: {  	[tilespmem:v14+s18+$0x0] =	vst.idx.add.s32.msk $0xffff, v2  }
0xf8: {  	[tilespmem:v11+s18+$0x0] =	vst.idx.add.s32.msk $0xffff, v2  }
0xf9: {  	[tilespmem:v12+s18+$0x0] =	vst.idx.add.s32.msk $0xffff, v2  }
0xfa: {  	[tilespmem:v13+s18+$0x0] =	vst.idx.add.s32.msk $0xffff, v2  }
0xfb: {  	[tilespmem:v10+s18+$0x0] =	vst.idx.add.s32.msk $0xffff, v2  }
0xfc: {  	[tilespmem:v15+s19+$0x0] =	vst.idx.add.f32.msk $0xffff, v5  }
0xfd: {  	[tilespmem:v16+s19+$0x0] =	vst.idx.add.f32.msk $0xffff, v9  }
0xfe: {  	[tilespmem:v14+s19+$0x0] =	vst.idx.add.f32.msk $0xffff, v8  }
0xff: {  	[tilespmem:v11+s19+$0x0] =	vst.idx.add.f32.msk $0xffff, v7  }
0x100: {  	[tilespmem:v12+s19+$0x0] =	vst.idx.add.f32.msk $0xffff, v6  }
0x101: {  	[tilespmem:v13+s19+$0x0] =	vst.idx.add.f32.msk $0xffff, v4  }
0x102: {  	s22 =	simm.s32 $0x80;
	[tilespmem:v10+s19+$0x0] =	vst.idx.add.f32.msk $0xffff, v3  }
0x103: {  	[tilespmem:s16], [sflag:$0x2] =	stream.strided.gather [hbm4b:s6+s22], $0x4000, s15, s22, $0x38;
	[tilespmem:$0x18000] =	vst v63  }
0x104: {  	_ =	swait.ge [sflag:s17], $0x4000  }
0x105: {  	[sflag:s17] =	ssyncset.done $0x0  }
0x106: {  	[sflag:s17] =	ssyncadd.s32 $0xFFFFC000  }
0x107: {  	v5 =	vld [tilespmem:s22+$0xFFFFFFF0]  }
0x108: {  	v17 =	vld [tilespmem:s22+$0x0]  }
0x109: {  	v10 =	vld [tilespmem:s22+$0x10]  }
0x10a: {  	v11 =	vld [tilespmem:s22+$0x20]  }
0x10b: {  	v8 =	vld [tilespmem:s22+$0xFFFFFF80]  }
0x10c: {  	v9 =	vld [tilespmem:s22+$0x70]  }
0x10d: {  	v15 =	vld [tilespmem:s22+$0x50]  }
0x10e: {  	v18 =	vld [tilespmem:s22+$0x30]  }
0x10f: {  	v3 =	vld [tilespmem:s22+$0xFFFFFF90]  }
0x110: {  	v4 =	vld [tilespmem:s22+$0xFFFFFFA0];
	v12 =	vshra.s32 v8, $0x11  }
0x111: {  	v6 =	vld [tilespmem:s22+$0xFFFFFFB0];
	v14 =	vshra.s32 v9, $0x11  }
0x112: {  	v7 =	vld [tilespmem:s22+$0xFFFFFFC0];
	v19 =	vshra.s32 v15, $0x11  }
0x113: {  	v13 =	vld [tilespmem:s22+$0x60];
	v20 =	vshra.s32 v18, $0x11  }
0x114: {  	v16 =	vld [tilespmem:s22+$0x40]  }
0x115: {  	[tilespmem:v12+s18+$0x0] =	vst.idx.add.s32.msk $0xffff, v2  }
0x116: {  	[tilespmem:v14+s18+$0x0] =	vst.idx.add.s32.msk $0xffff, v2  }
0x117: {  	[tilespmem:v19+s18+$0x0] =	vst.idx.add.s32.msk $0xffff, v2  }
0x118: {  	[tilespmem:v20+s18+$0x0] =	vst.idx.add.s32.msk $0xffff, v2  }
0x119: {  	[tilespmem:v12+s19+$0x0] =	vst.idx.add.f32.msk $0xffff, v8  }
0x11a: {  	v12 =	vshra.s32 v13, $0x11;
	[tilespmem:v14+s19+$0x0] =	vst.idx.add.f32.msk $0xffff, v9  }
0x11b: {  	v9 =	vld [tilespmem:s22+$0xFFFFFFE0]  }
0x11c: {  	v14 =	vshra.s32 v16, $0x11;
	v8 =	vld [tilespmem:s22+$0xFFFFFFD0]  }
0x11d: {  	[tilespmem:v19+s19+$0x0] =	vst.idx.add.f32.msk $0xffff, v15;
	v19 =	vshra.s32 v17, $0x11  }
0x11e: {  	[tilespmem:v20+s19+$0x0] =	vst.idx.add.f32.msk $0xffff, v18  }
0x11f: {  	[tilespmem:v12+s18+$0x0] =	vst.idx.add.s32.msk $0xffff, v2  }
0x120: {  	[tilespmem:v12+s19+$0x0] =	vst.idx.add.f32.msk $0xffff, v13;
	v12 =	vshra.s32 v11, $0x11  }
0x121: {  	[tilespmem:v14+s18+$0x0] =	vst.idx.add.s32.msk $0xffff, v2;
	v13 =	vshra.s32 v10, $0x11  }
0x122: {  	[tilespmem:v19+s18+$0x0] =	vst.idx.add.s32.msk $0xffff, v2  }
0x123: {  	[tilespmem:v14+s19+$0x0] =	vst.idx.add.f32.msk $0xffff, v16  }
0x124: {  	v15 =	vshra.s32 v5, $0x11;
	[tilespmem:v19+s19+$0x0] =	vst.idx.add.f32.msk $0xffff, v17  }
0x125: {  	v16 =	vshra.s32 v9, $0x11;
	[tilespmem:v12+s18+$0x0] =	vst.idx.add.s32.msk $0xffff, v2  }
0x126: {  	[tilespmem:v13+s18+$0x0] =	vst.idx.add.s32.msk $0xffff, v2  }
0x127: {  	v14 =	vshra.s32 v8, $0x11;
	[tilespmem:v12+s19+$0x0] =	vst.idx.add.f32.msk $0xffff, v11;
	v11 =	vshra.s32 v7, $0x11  }
0x128: {  	s23 =	simm.s32 $0x0;
	[tilespmem:v13+s19+$0x0] =	vst.idx.add.f32.msk $0xffff, v10;
	v12 =	vshra.s32 v6, $0x11;
	v13 =	vshra.s32 v4, $0x11;
	v10 =	vshra.s32 v3, $0x11  }
.LBB2_8:
0x129: {  	s23 =	sadd.s32 $0x10, s23;
	[tilespmem:v15+s18+$0x0] =	vst.idx.add.s32.msk $0xffff, v2;
	s22 =	sadd.s32 $0x100, s22  }
0x12a: {  	p0 =	slt.u32 s23, $0x3F0;
	[tilespmem:v16+s18+$0x0] =	vst.idx.add.s32.msk $0xffff, v2  }
0x12b: {  	[tilespmem:v15+s19+$0x0] =	vst.idx.add.f32.msk $0xffff, v5  }
0x12c: {  	[tilespmem:v16+s19+$0x0] =	vst.idx.add.f32.msk $0xffff, v9  }
0x12d: {  	[tilespmem:v14+s18+$0x0] =	vst.idx.add.s32.msk $0xffff, v2  }
0x12e: {  	[tilespmem:v11+s18+$0x0] =	vst.idx.add.s32.msk $0xffff, v2  }
0x12f: {  	[tilespmem:v14+s19+$0x0] =	vst.idx.add.f32.msk $0xffff, v8  }
0x130: {  	[tilespmem:v12+s18+$0x0] =	vst.idx.add.s32.msk $0xffff, v2  }
0x131: {  	[tilespmem:v11+s19+$0x0] =	vst.idx.add.f32.msk $0xffff, v7  }
0x132: {  	[tilespmem:v13+s18+$0x0] =	vst.idx.add.s32.msk $0xffff, v2  }
0x133: {  	[tilespmem:v12+s19+$0x0] =	vst.idx.add.f32.msk $0xffff, v6  }
0x134: {  	[tilespmem:v13+s19+$0x0] =	vst.idx.add.f32.msk $0xffff, v4  }
0x135: {  	[tilespmem:v10+s18+$0x0] =	vst.idx.add.s32.msk $0xffff, v2  }
0x136: {  	[tilespmem:v10+s19+$0x0] =	vst.idx.add.f32.msk $0xffff, v3  }
0x137: {  	v5 =	vld [tilespmem:s22+$0xFFFFFFF0]  }
0x138: {  	v17 =	vld [tilespmem:s22+$0x0]  }
0x139: {  	v18 =	vld [tilespmem:s22+$0x10]  }
0x13a: {  	v19 =	vld [tilespmem:s22+$0x20]  }
0x13b: {  	v8 =	vld [tilespmem:s22+$0xFFFFFF80]  }
0x13c: {  	v9 =	vld [tilespmem:s22+$0x70]  }
0x13d: {  	v3 =	vld [tilespmem:s22+$0xFFFFFF90]  }
0x13e: {  	v4 =	vld [tilespmem:s22+$0xFFFFFFA0]  }
0x13f: {  	v6 =	vld [tilespmem:s22+$0xFFFFFFB0]  }
0x140: {  	v10 =	vshra.s32 v8, $0x11;
	v7 =	vld [tilespmem:s22+$0xFFFFFFC0]  }
0x141: {  	v11 =	vld [tilespmem:s22+$0x60];
	v12 =	vshra.s32 v9, $0x11  }
0x142: {  	v13 =	vld [tilespmem:s22+$0x50]  }
0x143: {  	v20 =	vld [tilespmem:s22+$0x40]  }
0x144: {  	v21 =	vld [tilespmem:s22+$0x30]  }
0x145: {  	[tilespmem:v10+s18+$0x0] =	vst.idx.add.s32.msk $0xffff, v2  }
0x146: {  	[tilespmem:v10+s19+$0x0] =	vst.idx.add.f32.msk $0xffff, v8;
	v10 =	vshra.s32 v11, $0x11  }
0x147: {  	v14 =	vshra.s32 v13, $0x11;
	[tilespmem:v12+s18+$0x0] =	vst.idx.add.s32.msk $0xffff, v2  }
0x148: {  	v22 =	vshra.s32 v20, $0x11;
	[tilespmem:v12+s19+$0x0] =	vst.idx.add.f32.msk $0xffff, v9  }
0x149: {  	v9 =	vld [tilespmem:s22+$0xFFFFFFE0];
	v23 =	vshra.s32 v21, $0x11  }
0x14a: {  	v24 =	vshra.s32 v19, $0x11;
	v8 =	vld [tilespmem:s22+$0xFFFFFFD0]  }
0x14b: {  	v25 =	vshra.s32 v18, $0x11;
	[tilespmem:v10+s18+$0x0] =	vst.idx.add.s32.msk $0xffff, v2  }
0x14c: {  	v26 =	vshra.s32 v17, $0x11;
	[tilespmem:v10+s19+$0x0] =	vst.idx.add.f32.msk $0xffff, v11  }
0x14d: {  	v15 =	vshra.s32 v5, $0x11;
	[tilespmem:v14+s18+$0x0] =	vst.idx.add.s32.msk $0xffff, v2  }
0x14e: {  	v16 =	vshra.s32 v9, $0x11;
	[tilespmem:v14+s19+$0x0] =	vst.idx.add.f32.msk $0xffff, v13  }
0x14f: {  	v14 =	vshra.s32 v8, $0x11;
	[tilespmem:v22+s18+$0x0] =	vst.idx.add.s32.msk $0xffff, v2  }
0x150: {  	v11 =	vshra.s32 v7, $0x11;
	[tilespmem:v22+s19+$0x0] =	vst.idx.add.f32.msk $0xffff, v20  }
0x151: {  	v12 =	vshra.s32 v6, $0x11;
	[tilespmem:v23+s18+$0x0] =	vst.idx.add.s32.msk $0xffff, v2  }
0x152: {  	v13 =	vshra.s32 v4, $0x11;
	[tilespmem:v23+s19+$0x0] =	vst.idx.add.f32.msk $0xffff, v21  }
0x153: {  	v10 =	vshra.s32 v3, $0x11;
	[tilespmem:v24+s18+$0x0] =	vst.idx.add.s32.msk $0xffff, v2  }
.Ltmp3:
0x154: {  	[tilespmem:v25+s18+$0x0] =	vst.idx.add.s32.msk $0xffff, v2;
	(pc) =	sbr.rel @p0 .LBB2_8-.Ltmp3, $4  }
0x155: {  	[tilespmem:v24+s19+$0x0] =	vst.idx.add.f32.msk $0xffff, v19  }
0x156: {  	[tilespmem:v26+s18+$0x0] =	vst.idx.add.s32.msk $0xffff, v2  }
0x157: {  	[tilespmem:v25+s19+$0x0] =	vst.idx.add.f32.msk $0xffff, v18  }
0x158: {  	[tilespmem:v26+s19+$0x0] =	vst.idx.add.f32.msk $0xffff, v17  }
0x159: {  	_ =	sdelay $0x3  }
0x15a: {  	[tilespmem:v15+s18+$0x0] =	vst.idx.add.s32.msk $0xffff, v2  }
0x15b: {  	[tilespmem:v16+s18+$0x0] =	vst.idx.add.s32.msk $0xffff, v2  }
0x15c: {  	[tilespmem:v14+s18+$0x0] =	vst.idx.add.s32.msk $0xffff, v2  }
0x15d: {  	[tilespmem:v11+s18+$0x0] =	vst.idx.add.s32.msk $0xffff, v2  }
0x15e: {  	[tilespmem:v12+s18+$0x0] =	vst.idx.add.s32.msk $0xffff, v2  }
0x15f: {  	[tilespmem:v13+s18+$0x0] =	vst.idx.add.s32.msk $0xffff, v2  }
0x160: {  	[tilespmem:v10+s18+$0x0] =	vst.idx.add.s32.msk $0xffff, v2  }
0x161: {  	[tilespmem:v15+s19+$0x0] =	vst.idx.add.f32.msk $0xffff, v5  }
0x162: {  	[tilespmem:v16+s19+$0x0] =	vst.idx.add.f32.msk $0xffff, v9  }
0x163: {  	[tilespmem:v14+s19+$0x0] =	vst.idx.add.f32.msk $0xffff, v8  }
0x164: {  	[tilespmem:v11+s19+$0x0] =	vst.idx.add.f32.msk $0xffff, v7  }
0x165: {  	[tilespmem:v12+s19+$0x0] =	vst.idx.add.f32.msk $0xffff, v6  }
0x166: {  	[tilespmem:v13+s19+$0x0] =	vst.idx.add.f32.msk $0xffff, v4  }
0x167: {  	[tilespmem:v10+s19+$0x0] =	vst.idx.add.f32.msk $0xffff, v3  }
0x168: {  	[tilespmem:s2], [sflag:$0x1] =	stream.strided.gather [hbm4b:s7+s14], $0x4000, s15, s14, $0x38;
	[tilespmem:$0x18000] =	vst v63  }
0x169: {  	_ =	swait.ge [sflag:s20], $0x4000  }
0x16a: {  	[sflag:s20] =	ssyncset.done $0x0  }
0x16b: {  	s22 =	simm.s32 $0x4080;
	[sflag:s20] =	ssyncadd.s32 $0xFFFFC000  }
0x16c: {  	v5 =	vld [tilespmem:s22+$0xFFFFFFF0]  }
0x16d: {  	v17 =	vld [tilespmem:s22+$0x0]  }
0x16e: {  	v10 =	vld [tilespmem:s22+$0x10]  }
0x16f: {  	v11 =	vld [tilespmem:s22+$0x20]  }
0x170: {  	v8 =	vld [tilespmem:s22+$0xFFFFFF80]  }
0x171: {  	v9 =	vld [tilespmem:s22+$0x70]  }
0x172: {  	v15 =	vld [tilespmem:s22+$0x50]  }
0x173: {  	v18 =	vld [tilespmem:s22+$0x30]  }
0x174: {  	v3 =	vld [tilespmem:s22+$0xFFFFFF90]  }
0x175: {  	v4 =	vld [tilespmem:s22+$0xFFFFFFA0];
	v12 =	vshra.s32 v8, $0x11  }
0x176: {  	v6 =	vld [tilespmem:s22+$0xFFFFFFB0];
	v14 =	vshra.s32 v9, $0x11  }
0x177: {  	v7 =	vld [tilespmem:s22+$0xFFFFFFC0];
	v19 =	vshra.s32 v15, $0x11  }
0x178: {  	v13 =	vld [tilespmem:s22+$0x60];
	v20 =	vshra.s32 v18, $0x11  }
0x179: {  	v16 =	vld [tilespmem:s22+$0x40]  }
0x17a: {  	[tilespmem:v12+s18+$0x0] =	vst.idx.add.s32.msk $0xffff, v2  }
0x17b: {  	[tilespmem:v14+s18+$0x0] =	vst.idx.add.s32.msk $0xffff, v2  }
0x17c: {  	[tilespmem:v19+s18+$0x0] =	vst.idx.add.s32.msk $0xffff, v2  }
0x17d: {  	[tilespmem:v20+s18+$0x0] =	vst.idx.add.s32.msk $0xffff, v2  }
0x17e: {  	[tilespmem:v12+s19+$0x0] =	vst.idx.add.f32.msk $0xffff, v8  }
0x17f: {  	v12 =	vshra.s32 v13, $0x11;
	[tilespmem:v14+s19+$0x0] =	vst.idx.add.f32.msk $0xffff, v9  }
0x180: {  	v9 =	vld [tilespmem:s22+$0xFFFFFFE0]  }
0x181: {  	v14 =	vshra.s32 v16, $0x11;
	v8 =	vld [tilespmem:s22+$0xFFFFFFD0]  }
0x182: {  	[tilespmem:v19+s19+$0x0] =	vst.idx.add.f32.msk $0xffff, v15;
	v19 =	vshra.s32 v17, $0x11  }
0x183: {  	[tilespmem:v20+s19+$0x0] =	vst.idx.add.f32.msk $0xffff, v18  }
0x184: {  	[tilespmem:v12+s18+$0x0] =	vst.idx.add.s32.msk $0xffff, v2  }
0x185: {  	[tilespmem:v12+s19+$0x0] =	vst.idx.add.f32.msk $0xffff, v13;
	v12 =	vshra.s32 v11, $0x11  }
0x186: {  	[tilespmem:v14+s18+$0x0] =	vst.idx.add.s32.msk $0xffff, v2;
	v13 =	vshra.s32 v10, $0x11  }
0x187: {  	[tilespmem:v19+s18+$0x0] =	vst.idx.add.s32.msk $0xffff, v2  }
0x188: {  	[tilespmem:v14+s19+$0x0] =	vst.idx.add.f32.msk $0xffff, v16  }
0x189: {  	v15 =	vshra.s32 v5, $0x11;
	[tilespmem:v19+s19+$0x0] =	vst.idx.add.f32.msk $0xffff, v17  }
0x18a: {  	v16 =	vshra.s32 v9, $0x11;
	[tilespmem:v12+s18+$0x0] =	vst.idx.add.s32.msk $0xffff, v2  }
0x18b: {  	[tilespmem:v13+s18+$0x0] =	vst.idx.add.s32.msk $0xffff, v2  }
0x18c: {  	v14 =	vshra.s32 v8, $0x11;
	[tilespmem:v12+s19+$0x0] =	vst.idx.add.f32.msk $0xffff, v11;
	v11 =	vshra.s32 v7, $0x11  }
0x18d: {  	s23 =	simm.s32 $0x0;
	[tilespmem:v13+s19+$0x0] =	vst.idx.add.f32.msk $0xffff, v10;
	v12 =	vshra.s32 v6, $0x11;
	v13 =	vshra.s32 v4, $0x11;
	v10 =	vshra.s32 v3, $0x11  }
.LBB2_10:
0x18e: {  	s23 =	sadd.s32 $0x10, s23;
	[tilespmem:v15+s18+$0x0] =	vst.idx.add.s32.msk $0xffff, v2;
	s22 =	sadd.s32 $0x100, s22  }
0x18f: {  	p0 =	slt.u32 s23, $0x3F0;
	[tilespmem:v16+s18+$0x0] =	vst.idx.add.s32.msk $0xffff, v2  }
0x190: {  	[tilespmem:v15+s19+$0x0] =	vst.idx.add.f32.msk $0xffff, v5  }
0x191: {  	[tilespmem:v16+s19+$0x0] =	vst.idx.add.f32.msk $0xffff, v9  }
0x192: {  	[tilespmem:v14+s18+$0x0] =	vst.idx.add.s32.msk $0xffff, v2  }
0x193: {  	[tilespmem:v11+s18+$0x0] =	vst.idx.add.s32.msk $0xffff, v2  }
0x194: {  	[tilespmem:v14+s19+$0x0] =	vst.idx.add.f32.msk $0xffff, v8  }
0x195: {  	[tilespmem:v12+s18+$0x0] =	vst.idx.add.s32.msk $0xffff, v2  }
0x196: {  	[tilespmem:v11+s19+$0x0] =	vst.idx.add.f32.msk $0xffff, v7  }
0x197: {  	[tilespmem:v13+s18+$0x0] =	vst.idx.add.s32.msk $0xffff, v2  }
0x198: {  	[tilespmem:v12+s19+$0x0] =	vst.idx.add.f32.msk $0xffff, v6  }
0x199: {  	[tilespmem:v13+s19+$0x0] =	vst.idx.add.f32.msk $0xffff, v4  }
0x19a: {  	[tilespmem:v10+s18+$0x0] =	vst.idx.add.s32.msk $0xffff, v2  }
0x19b: {  	[tilespmem:v10+s19+$0x0] =	vst.idx.add.f32.msk $0xffff, v3  }
0x19c: {  	v5 =	vld [tilespmem:s22+$0xFFFFFFF0]  }
0x19d: {  	v17 =	vld [tilespmem:s22+$0x0]  }
0x19e: {  	v18 =	vld [tilespmem:s22+$0x10]  }
0x19f: {  	v19 =	vld [tilespmem:s22+$0x20]  }
0x1a0: {  	v8 =	vld [tilespmem:s22+$0xFFFFFF80]  }
0x1a1: {  	v9 =	vld [tilespmem:s22+$0x70]  }
0x1a2: {  	v3 =	vld [tilespmem:s22+$0xFFFFFF90]  }
0x1a3: {  	v4 =	vld [tilespmem:s22+$0xFFFFFFA0]  }
0x1a4: {  	v6 =	vld [tilespmem:s22+$0xFFFFFFB0]  }
0x1a5: {  	v10 =	vshra.s32 v8, $0x11;
	v7 =	vld [tilespmem:s22+$0xFFFFFFC0]  }
0x1a6: {  	v11 =	vld [tilespmem:s22+$0x60];
	v12 =	vshra.s32 v9, $0x11  }
0x1a7: {  	v13 =	vld [tilespmem:s22+$0x50]  }
0x1a8: {  	v20 =	vld [tilespmem:s22+$0x40]  }
0x1a9: {  	v21 =	vld [tilespmem:s22+$0x30]  }
0x1aa: {  	[tilespmem:v10+s18+$0x0] =	vst.idx.add.s32.msk $0xffff, v2  }
0x1ab: {  	[tilespmem:v10+s19+$0x0] =	vst.idx.add.f32.msk $0xffff, v8;
	v10 =	vshra.s32 v11, $0x11  }
0x1ac: {  	v14 =	vshra.s32 v13, $0x11;
	[tilespmem:v12+s18+$0x0] =	vst.idx.add.s32.msk $0xffff, v2  }
0x1ad: {  	v22 =	vshra.s32 v20, $0x11;
	[tilespmem:v12+s19+$0x0] =	vst.idx.add.f32.msk $0xffff, v9  }
0x1ae: {  	v9 =	vld [tilespmem:s22+$0xFFFFFFE0];
	v23 =	vshra.s32 v21, $0x11  }
0x1af: {  	v24 =	vshra.s32 v19, $0x11;
	v8 =	vld [tilespmem:s22+$0xFFFFFFD0]  }
0x1b0: {  	v25 =	vshra.s32 v18, $0x11;
	[tilespmem:v10+s18+$0x0] =	vst.idx.add.s32.msk $0xffff, v2  }
0x1b1: {  	v26 =	vshra.s32 v17, $0x11;
	[tilespmem:v10+s19+$0x0] =	vst.idx.add.f32.msk $0xffff, v11  }
0x1b2: {  	v15 =	vshra.s32 v5, $0x11;
	[tilespmem:v14+s18+$0x0] =	vst.idx.add.s32.msk $0xffff, v2  }
0x1b3: {  	v16 =	vshra.s32 v9, $0x11;
	[tilespmem:v14+s19+$0x0] =	vst.idx.add.f32.msk $0xffff, v13  }
0x1b4: {  	v14 =	vshra.s32 v8, $0x11;
	[tilespmem:v22+s18+$0x0] =	vst.idx.add.s32.msk $0xffff, v2  }
0x1b5: {  	v11 =	vshra.s32 v7, $0x11;
	[tilespmem:v22+s19+$0x0] =	vst.idx.add.f32.msk $0xffff, v20  }
0x1b6: {  	v12 =	vshra.s32 v6, $0x11;
	[tilespmem:v23+s18+$0x0] =	vst.idx.add.s32.msk $0xffff, v2  }
0x1b7: {  	v13 =	vshra.s32 v4, $0x11;
	[tilespmem:v23+s19+$0x0] =	vst.idx.add.f32.msk $0xffff, v21  }
0x1b8: {  	v10 =	vshra.s32 v3, $0x11;
	[tilespmem:v24+s18+$0x0] =	vst.idx.add.s32.msk $0xffff, v2  }
.Ltmp4:
0x1b9: {  	[tilespmem:v25+s18+$0x0] =	vst.idx.add.s32.msk $0xffff, v2;
	(pc) =	sbr.rel @p0 .LBB2_10-.Ltmp4, $4  }
0x1ba: {  	[tilespmem:v24+s19+$0x0] =	vst.idx.add.f32.msk $0xffff, v19  }
0x1bb: {  	[tilespmem:v26+s18+$0x0] =	vst.idx.add.s32.msk $0xffff, v2  }
0x1bc: {  	[tilespmem:v25+s19+$0x0] =	vst.idx.add.f32.msk $0xffff, v18  }
0x1bd: {  	[tilespmem:v26+s19+$0x0] =	vst.idx.add.f32.msk $0xffff, v17  }
0x1be: {  	_ =	sdelay $0x3  }
0x1bf: {  	[tilespmem:v15+s18+$0x0] =	vst.idx.add.s32.msk $0xffff, v2  }
0x1c0: {  	[tilespmem:v16+s18+$0x0] =	vst.idx.add.s32.msk $0xffff, v2  }
0x1c1: {  	[tilespmem:v14+s18+$0x0] =	vst.idx.add.s32.msk $0xffff, v2  }
0x1c2: {  	[tilespmem:v11+s18+$0x0] =	vst.idx.add.s32.msk $0xffff, v2  }
0x1c3: {  	[tilespmem:v12+s18+$0x0] =	vst.idx.add.s32.msk $0xffff, v2  }
0x1c4: {  	[tilespmem:v13+s18+$0x0] =	vst.idx.add.s32.msk $0xffff, v2  }
0x1c5: {  	[tilespmem:v10+s18+$0x0] =	vst.idx.add.s32.msk $0xffff, v2  }
0x1c6: {  	[tilespmem:v15+s19+$0x0] =	vst.idx.add.f32.msk $0xffff, v5  }
0x1c7: {  	[tilespmem:v16+s19+$0x0] =	vst.idx.add.f32.msk $0xffff, v9  }
0x1c8: {  	[tilespmem:v14+s19+$0x0] =	vst.idx.add.f32.msk $0xffff, v8  }
0x1c9: {  	[tilespmem:v11+s19+$0x0] =	vst.idx.add.f32.msk $0xffff, v7  }
0x1ca: {  	[tilespmem:v12+s19+$0x0] =	vst.idx.add.f32.msk $0xffff, v6  }
0x1cb: {  	[tilespmem:v13+s19+$0x0] =	vst.idx.add.f32.msk $0xffff, v4  }
0x1cc: {  	s22 =	simm.s32 $0x80;
	[tilespmem:v10+s19+$0x0] =	vst.idx.add.f32.msk $0xffff, v3  }
0x1cd: {  	[tilespmem:s16], [sflag:$0x2] =	stream.strided.gather [hbm4b:s8+s22], $0x4000, s15, s22, $0x38;
	[tilespmem:$0x18000] =	vst v63  }
0x1ce: {  	_ =	swait.ge [sflag:s17], $0x4000  }
0x1cf: {  	[sflag:s17] =	ssyncset.done $0x0  }
0x1d0: {  	[sflag:s17] =	ssyncadd.s32 $0xFFFFC000  }
0x1d1: {  	v5 =	vld [tilespmem:s22+$0xFFFFFFF0]  }
0x1d2: {  	v17 =	vld [tilespmem:s22+$0x0]  }
0x1d3: {  	v10 =	vld [tilespmem:s22+$0x10]  }
0x1d4: {  	v11 =	vld [tilespmem:s22+$0x20]  }
0x1d5: {  	v8 =	vld [tilespmem:s22+$0xFFFFFF80]  }
0x1d6: {  	v9 =	vld [tilespmem:s22+$0x70]  }
0x1d7: {  	v15 =	vld [tilespmem:s22+$0x50]  }
0x1d8: {  	v18 =	vld [tilespmem:s22+$0x30]  }
0x1d9: {  	v3 =	vld [tilespmem:s22+$0xFFFFFF90]  }
0x1da: {  	v4 =	vld [tilespmem:s22+$0xFFFFFFA0];
	v12 =	vshra.s32 v8, $0x11  }
0x1db: {  	v6 =	vld [tilespmem:s22+$0xFFFFFFB0];
	v14 =	vshra.s32 v9, $0x11  }
0x1dc: {  	v7 =	vld [tilespmem:s22+$0xFFFFFFC0];
	v19 =	vshra.s32 v15, $0x11  }
0x1dd: {  	v13 =	vld [tilespmem:s22+$0x60];
	v20 =	vshra.s32 v18, $0x11  }
0x1de: {  	v16 =	vld [tilespmem:s22+$0x40]  }
0x1df: {  	[tilespmem:v12+s18+$0x0] =	vst.idx.add.s32.msk $0xffff, v2  }
0x1e0: {  	[tilespmem:v14+s18+$0x0] =	vst.idx.add.s32.msk $0xffff, v2  }
0x1e1: {  	[tilespmem:v19+s18+$0x0] =	vst.idx.add.s32.msk $0xffff, v2  }
0x1e2: {  	[tilespmem:v20+s18+$0x0] =	vst.idx.add.s32.msk $0xffff, v2  }
0x1e3: {  	[tilespmem:v12+s19+$0x0] =	vst.idx.add.f32.msk $0xffff, v8  }
0x1e4: {  	v12 =	vshra.s32 v13, $0x11;
	[tilespmem:v14+s19+$0x0] =	vst.idx.add.f32.msk $0xffff, v9  }
0x1e5: {  	v9 =	vld [tilespmem:s22+$0xFFFFFFE0]  }
0x1e6: {  	v14 =	vshra.s32 v16, $0x11;
	v8 =	vld [tilespmem:s22+$0xFFFFFFD0]  }
0x1e7: {  	[tilespmem:v19+s19+$0x0] =	vst.idx.add.f32.msk $0xffff, v15;
	v19 =	vshra.s32 v17, $0x11  }
0x1e8: {  	[tilespmem:v20+s19+$0x0] =	vst.idx.add.f32.msk $0xffff, v18  }
0x1e9: {  	[tilespmem:v12+s18+$0x0] =	vst.idx.add.s32.msk $0xffff, v2  }
0x1ea: {  	[tilespmem:v12+s19+$0x0] =	vst.idx.add.f32.msk $0xffff, v13;
	v12 =	vshra.s32 v11, $0x11  }
0x1eb: {  	[tilespmem:v14+s18+$0x0] =	vst.idx.add.s32.msk $0xffff, v2;
	v13 =	vshra.s32 v10, $0x11  }
0x1ec: {  	[tilespmem:v19+s18+$0x0] =	vst.idx.add.s32.msk $0xffff, v2  }
0x1ed: {  	[tilespmem:v14+s19+$0x0] =	vst.idx.add.f32.msk $0xffff, v16  }
0x1ee: {  	v15 =	vshra.s32 v5, $0x11;
	[tilespmem:v19+s19+$0x0] =	vst.idx.add.f32.msk $0xffff, v17  }
0x1ef: {  	v16 =	vshra.s32 v9, $0x11;
	[tilespmem:v12+s18+$0x0] =	vst.idx.add.s32.msk $0xffff, v2  }
0x1f0: {  	[tilespmem:v13+s18+$0x0] =	vst.idx.add.s32.msk $0xffff, v2  }
0x1f1: {  	v14 =	vshra.s32 v8, $0x11;
	[tilespmem:v12+s19+$0x0] =	vst.idx.add.f32.msk $0xffff, v11;
	v11 =	vshra.s32 v7, $0x11  }
0x1f2: {  	s23 =	simm.s32 $0x0;
	[tilespmem:v13+s19+$0x0] =	vst.idx.add.f32.msk $0xffff, v10;
	v12 =	vshra.s32 v6, $0x11;
	v13 =	vshra.s32 v4, $0x11;
	v10 =	vshra.s32 v3, $0x11  }
.LBB2_12:
0x1f3: {  	s23 =	sadd.s32 $0x10, s23;
	[tilespmem:v15+s18+$0x0] =	vst.idx.add.s32.msk $0xffff, v2;
	s22 =	sadd.s32 $0x100, s22  }
0x1f4: {  	p0 =	slt.u32 s23, $0x3F0;
	[tilespmem:v16+s18+$0x0] =	vst.idx.add.s32.msk $0xffff, v2  }
0x1f5: {  	[tilespmem:v15+s19+$0x0] =	vst.idx.add.f32.msk $0xffff, v5  }
0x1f6: {  	[tilespmem:v16+s19+$0x0] =	vst.idx.add.f32.msk $0xffff, v9  }
0x1f7: {  	[tilespmem:v14+s18+$0x0] =	vst.idx.add.s32.msk $0xffff, v2  }
0x1f8: {  	[tilespmem:v11+s18+$0x0] =	vst.idx.add.s32.msk $0xffff, v2  }
0x1f9: {  	[tilespmem:v14+s19+$0x0] =	vst.idx.add.f32.msk $0xffff, v8  }
0x1fa: {  	[tilespmem:v12+s18+$0x0] =	vst.idx.add.s32.msk $0xffff, v2  }
0x1fb: {  	[tilespmem:v11+s19+$0x0] =	vst.idx.add.f32.msk $0xffff, v7  }
0x1fc: {  	[tilespmem:v13+s18+$0x0] =	vst.idx.add.s32.msk $0xffff, v2  }
0x1fd: {  	[tilespmem:v12+s19+$0x0] =	vst.idx.add.f32.msk $0xffff, v6  }
0x1fe: {  	[tilespmem:v13+s19+$0x0] =	vst.idx.add.f32.msk $0xffff, v4  }
0x1ff: {  	[tilespmem:v10+s18+$0x0] =	vst.idx.add.s32.msk $0xffff, v2  }
0x200: {  	[tilespmem:v10+s19+$0x0] =	vst.idx.add.f32.msk $0xffff, v3  }
0x201: {  	v5 =	vld [tilespmem:s22+$0xFFFFFFF0]  }
0x202: {  	v17 =	vld [tilespmem:s22+$0x0]  }
0x203: {  	v18 =	vld [tilespmem:s22+$0x10]  }
0x204: {  	v19 =	vld [tilespmem:s22+$0x20]  }
0x205: {  	v8 =	vld [tilespmem:s22+$0xFFFFFF80]  }
0x206: {  	v9 =	vld [tilespmem:s22+$0x70]  }
0x207: {  	v3 =	vld [tilespmem:s22+$0xFFFFFF90]  }
0x208: {  	v4 =	vld [tilespmem:s22+$0xFFFFFFA0]  }
0x209: {  	v6 =	vld [tilespmem:s22+$0xFFFFFFB0]  }
0x20a: {  	v10 =	vshra.s32 v8, $0x11;
	v7 =	vld [tilespmem:s22+$0xFFFFFFC0]  }
0x20b: {  	v11 =	vld [tilespmem:s22+$0x60];
	v12 =	vshra.s32 v9, $0x11  }
0x20c: {  	v13 =	vld [tilespmem:s22+$0x50]  }
0x20d: {  	v20 =	vld [tilespmem:s22+$0x40]  }
0x20e: {  	v21 =	vld [tilespmem:s22+$0x30]  }
0x20f: {  	[tilespmem:v10+s18+$0x0] =	vst.idx.add.s32.msk $0xffff, v2  }
0x210: {  	[tilespmem:v10+s19+$0x0] =	vst.idx.add.f32.msk $0xffff, v8;
	v10 =	vshra.s32 v11, $0x11  }
0x211: {  	v14 =	vshra.s32 v13, $0x11;
	[tilespmem:v12+s18+$0x0] =	vst.idx.add.s32.msk $0xffff, v2  }
0x212: {  	v22 =	vshra.s32 v20, $0x11;
	[tilespmem:v12+s19+$0x0] =	vst.idx.add.f32.msk $0xffff, v9  }
0x213: {  	v9 =	vld [tilespmem:s22+$0xFFFFFFE0];
	v23 =	vshra.s32 v21, $0x11  }
0x214: {  	v24 =	vshra.s32 v19, $0x11;
	v8 =	vld [tilespmem:s22+$0xFFFFFFD0]  }
0x215: {  	v25 =	vshra.s32 v18, $0x11;
	[tilespmem:v10+s18+$0x0] =	vst.idx.add.s32.msk $0xffff, v2  }
0x216: {  	v26 =	vshra.s32 v17, $0x11;
	[tilespmem:v10+s19+$0x0] =	vst.idx.add.f32.msk $0xffff, v11  }
0x217: {  	v15 =	vshra.s32 v5, $0x11;
	[tilespmem:v14+s18+$0x0] =	vst.idx.add.s32.msk $0xffff, v2  }
0x218: {  	v16 =	vshra.s32 v9, $0x11;
	[tilespmem:v14+s19+$0x0] =	vst.idx.add.f32.msk $0xffff, v13  }
0x219: {  	v14 =	vshra.s32 v8, $0x11;
	[tilespmem:v22+s18+$0x0] =	vst.idx.add.s32.msk $0xffff, v2  }
0x21a: {  	v11 =	vshra.s32 v7, $0x11;
	[tilespmem:v22+s19+$0x0] =	vst.idx.add.f32.msk $0xffff, v20  }
0x21b: {  	v12 =	vshra.s32 v6, $0x11;
	[tilespmem:v23+s18+$0x0] =	vst.idx.add.s32.msk $0xffff, v2  }
0x21c: {  	v13 =	vshra.s32 v4, $0x11;
	[tilespmem:v23+s19+$0x0] =	vst.idx.add.f32.msk $0xffff, v21  }
0x21d: {  	v10 =	vshra.s32 v3, $0x11;
	[tilespmem:v24+s18+$0x0] =	vst.idx.add.s32.msk $0xffff, v2  }
.Ltmp5:
0x21e: {  	[tilespmem:v25+s18+$0x0] =	vst.idx.add.s32.msk $0xffff, v2;
	(pc) =	sbr.rel @p0 .LBB2_12-.Ltmp5, $4  }
0x21f: {  	[tilespmem:v24+s19+$0x0] =	vst.idx.add.f32.msk $0xffff, v19  }
0x220: {  	[tilespmem:v26+s18+$0x0] =	vst.idx.add.s32.msk $0xffff, v2  }
0x221: {  	[tilespmem:v25+s19+$0x0] =	vst.idx.add.f32.msk $0xffff, v18  }
0x222: {  	[tilespmem:v26+s19+$0x0] =	vst.idx.add.f32.msk $0xffff, v17  }
0x223: {  	_ =	sdelay $0x3  }
0x224: {  	[tilespmem:v15+s18+$0x0] =	vst.idx.add.s32.msk $0xffff, v2  }
0x225: {  	[tilespmem:v16+s18+$0x0] =	vst.idx.add.s32.msk $0xffff, v2  }
0x226: {  	[tilespmem:v14+s18+$0x0] =	vst.idx.add.s32.msk $0xffff, v2  }
0x227: {  	[tilespmem:v11+s18+$0x0] =	vst.idx.add.s32.msk $0xffff, v2  }
0x228: {  	[tilespmem:v12+s18+$0x0] =	vst.idx.add.s32.msk $0xffff, v2  }
0x229: {  	[tilespmem:v13+s18+$0x0] =	vst.idx.add.s32.msk $0xffff, v2  }
0x22a: {  	[tilespmem:v10+s18+$0x0] =	vst.idx.add.s32.msk $0xffff, v2  }
0x22b: {  	[tilespmem:v15+s19+$0x0] =	vst.idx.add.f32.msk $0xffff, v5  }
0x22c: {  	[tilespmem:v16+s19+$0x0] =	vst.idx.add.f32.msk $0xffff, v9  }
0x22d: {  	[tilespmem:v14+s19+$0x0] =	vst.idx.add.f32.msk $0xffff, v8  }
0x22e: {  	[tilespmem:v11+s19+$0x0] =	vst.idx.add.f32.msk $0xffff, v7  }
0x22f: {  	[tilespmem:v12+s19+$0x0] =	vst.idx.add.f32.msk $0xffff, v6  }
0x230: {  	[tilespmem:v13+s19+$0x0] =	vst.idx.add.f32.msk $0xffff, v4  }
0x231: {  	[tilespmem:v10+s19+$0x0] =	vst.idx.add.f32.msk $0xffff, v3  }
0x232: {  	[tilespmem:s2], [sflag:$0x1] =	stream.strided.gather [hbm4b:s9+s14], $0x4000, s15, s14, $0x38;
	[tilespmem:$0x18000] =	vst v63  }
0x233: {  	_ =	swait.ge [sflag:s20], $0x4000  }
0x234: {  	[sflag:s20] =	ssyncset.done $0x0  }
0x235: {  	s22 =	simm.s32 $0x4080;
	[sflag:s20] =	ssyncadd.s32 $0xFFFFC000  }
0x236: {  	v5 =	vld [tilespmem:s22+$0xFFFFFFF0]  }
0x237: {  	v17 =	vld [tilespmem:s22+$0x0]  }
0x238: {  	v10 =	vld [tilespmem:s22+$0x10]  }
0x239: {  	v11 =	vld [tilespmem:s22+$0x20]  }
0x23a: {  	v8 =	vld [tilespmem:s22+$0xFFFFFF80]  }
0x23b: {  	v9 =	vld [tilespmem:s22+$0x70]  }
0x23c: {  	v15 =	vld [tilespmem:s22+$0x50]  }
0x23d: {  	v18 =	vld [tilespmem:s22+$0x30]  }
0x23e: {  	v3 =	vld [tilespmem:s22+$0xFFFFFF90]  }
0x23f: {  	v4 =	vld [tilespmem:s22+$0xFFFFFFA0];
	v12 =	vshra.s32 v8, $0x11  }
0x240: {  	v6 =	vld [tilespmem:s22+$0xFFFFFFB0];
	v14 =	vshra.s32 v9, $0x11  }
0x241: {  	v7 =	vld [tilespmem:s22+$0xFFFFFFC0];
	v19 =	vshra.s32 v15, $0x11  }
0x242: {  	v13 =	vld [tilespmem:s22+$0x60];
	v20 =	vshra.s32 v18, $0x11  }
0x243: {  	v16 =	vld [tilespmem:s22+$0x40]  }
0x244: {  	[tilespmem:v12+s18+$0x0] =	vst.idx.add.s32.msk $0xffff, v2  }
0x245: {  	[tilespmem:v14+s18+$0x0] =	vst.idx.add.s32.msk $0xffff, v2  }
0x246: {  	[tilespmem:v19+s18+$0x0] =	vst.idx.add.s32.msk $0xffff, v2  }
0x247: {  	[tilespmem:v20+s18+$0x0] =	vst.idx.add.s32.msk $0xffff, v2  }
0x248: {  	[tilespmem:v12+s19+$0x0] =	vst.idx.add.f32.msk $0xffff, v8  }
0x249: {  	v12 =	vshra.s32 v13, $0x11;
	[tilespmem:v14+s19+$0x0] =	vst.idx.add.f32.msk $0xffff, v9  }
0x24a: {  	v9 =	vld [tilespmem:s22+$0xFFFFFFE0]  }
0x24b: {  	v14 =	vshra.s32 v16, $0x11;
	v8 =	vld [tilespmem:s22+$0xFFFFFFD0]  }
0x24c: {  	[tilespmem:v19+s19+$0x0] =	vst.idx.add.f32.msk $0xffff, v15;
	v19 =	vshra.s32 v17, $0x11  }
0x24d: {  	[tilespmem:v20+s19+$0x0] =	vst.idx.add.f32.msk $0xffff, v18  }
0x24e: {  	[tilespmem:v12+s18+$0x0] =	vst.idx.add.s32.msk $0xffff, v2  }
0x24f: {  	[tilespmem:v12+s19+$0x0] =	vst.idx.add.f32.msk $0xffff, v13;
	v12 =	vshra.s32 v11, $0x11  }
0x250: {  	[tilespmem:v14+s18+$0x0] =	vst.idx.add.s32.msk $0xffff, v2;
	v13 =	vshra.s32 v10, $0x11  }
0x251: {  	[tilespmem:v19+s18+$0x0] =	vst.idx.add.s32.msk $0xffff, v2  }
0x252: {  	[tilespmem:v14+s19+$0x0] =	vst.idx.add.f32.msk $0xffff, v16  }
0x253: {  	v15 =	vshra.s32 v5, $0x11;
	[tilespmem:v19+s19+$0x0] =	vst.idx.add.f32.msk $0xffff, v17  }
0x254: {  	v16 =	vshra.s32 v9, $0x11;
	[tilespmem:v12+s18+$0x0] =	vst.idx.add.s32.msk $0xffff, v2  }
0x255: {  	[tilespmem:v13+s18+$0x0] =	vst.idx.add.s32.msk $0xffff, v2  }
0x256: {  	v14 =	vshra.s32 v8, $0x11;
	[tilespmem:v12+s19+$0x0] =	vst.idx.add.f32.msk $0xffff, v11;
	v11 =	vshra.s32 v7, $0x11  }
0x257: {  	s23 =	simm.s32 $0x0;
	[tilespmem:v13+s19+$0x0] =	vst.idx.add.f32.msk $0xffff, v10;
	v12 =	vshra.s32 v6, $0x11;
	v13 =	vshra.s32 v4, $0x11;
	v10 =	vshra.s32 v3, $0x11  }
.LBB2_14:
0x258: {  	s23 =	sadd.s32 $0x10, s23;
	[tilespmem:v15+s18+$0x0] =	vst.idx.add.s32.msk $0xffff, v2;
	s22 =	sadd.s32 $0x100, s22  }
0x259: {  	p0 =	slt.u32 s23, $0x3F0;
	[tilespmem:v16+s18+$0x0] =	vst.idx.add.s32.msk $0xffff, v2  }
0x25a: {  	[tilespmem:v15+s19+$0x0] =	vst.idx.add.f32.msk $0xffff, v5  }
0x25b: {  	[tilespmem:v16+s19+$0x0] =	vst.idx.add.f32.msk $0xffff, v9  }
0x25c: {  	[tilespmem:v14+s18+$0x0] =	vst.idx.add.s32.msk $0xffff, v2  }
0x25d: {  	[tilespmem:v11+s18+$0x0] =	vst.idx.add.s32.msk $0xffff, v2  }
0x25e: {  	[tilespmem:v14+s19+$0x0] =	vst.idx.add.f32.msk $0xffff, v8  }
0x25f: {  	[tilespmem:v12+s18+$0x0] =	vst.idx.add.s32.msk $0xffff, v2  }
0x260: {  	[tilespmem:v11+s19+$0x0] =	vst.idx.add.f32.msk $0xffff, v7  }
0x261: {  	[tilespmem:v13+s18+$0x0] =	vst.idx.add.s32.msk $0xffff, v2  }
0x262: {  	[tilespmem:v12+s19+$0x0] =	vst.idx.add.f32.msk $0xffff, v6  }
0x263: {  	[tilespmem:v13+s19+$0x0] =	vst.idx.add.f32.msk $0xffff, v4  }
0x264: {  	[tilespmem:v10+s18+$0x0] =	vst.idx.add.s32.msk $0xffff, v2  }
0x265: {  	[tilespmem:v10+s19+$0x0] =	vst.idx.add.f32.msk $0xffff, v3  }
0x266: {  	v5 =	vld [tilespmem:s22+$0xFFFFFFF0]  }
0x267: {  	v17 =	vld [tilespmem:s22+$0x0]  }
0x268: {  	v18 =	vld [tilespmem:s22+$0x10]  }
0x269: {  	v19 =	vld [tilespmem:s22+$0x20]  }
0x26a: {  	v8 =	vld [tilespmem:s22+$0xFFFFFF80]  }
0x26b: {  	v9 =	vld [tilespmem:s22+$0x70]  }
0x26c: {  	v3 =	vld [tilespmem:s22+$0xFFFFFF90]  }
0x26d: {  	v4 =	vld [tilespmem:s22+$0xFFFFFFA0]  }
0x26e: {  	v6 =	vld [tilespmem:s22+$0xFFFFFFB0]  }
0x26f: {  	v10 =	vshra.s32 v8, $0x11;
	v7 =	vld [tilespmem:s22+$0xFFFFFFC0]  }
0x270: {  	v11 =	vld [tilespmem:s22+$0x60];
	v12 =	vshra.s32 v9, $0x11  }
0x271: {  	v13 =	vld [tilespmem:s22+$0x50]  }
0x272: {  	v20 =	vld [tilespmem:s22+$0x40]  }
0x273: {  	v21 =	vld [tilespmem:s22+$0x30]  }
0x274: {  	[tilespmem:v10+s18+$0x0] =	vst.idx.add.s32.msk $0xffff, v2  }
0x275: {  	[tilespmem:v10+s19+$0x0] =	vst.idx.add.f32.msk $0xffff, v8;
	v10 =	vshra.s32 v11, $0x11  }
0x276: {  	v14 =	vshra.s32 v13, $0x11;
	[tilespmem:v12+s18+$0x0] =	vst.idx.add.s32.msk $0xffff, v2  }
0x277: {  	v22 =	vshra.s32 v20, $0x11;
	[tilespmem:v12+s19+$0x0] =	vst.idx.add.f32.msk $0xffff, v9  }
0x278: {  	v9 =	vld [tilespmem:s22+$0xFFFFFFE0];
	v23 =	vshra.s32 v21, $0x11  }
0x279: {  	v24 =	vshra.s32 v19, $0x11;
	v8 =	vld [tilespmem:s22+$0xFFFFFFD0]  }
0x27a: {  	v25 =	vshra.s32 v18, $0x11;
	[tilespmem:v10+s18+$0x0] =	vst.idx.add.s32.msk $0xffff, v2  }
0x27b: {  	v26 =	vshra.s32 v17, $0x11;
	[tilespmem:v10+s19+$0x0] =	vst.idx.add.f32.msk $0xffff, v11  }
0x27c: {  	v15 =	vshra.s32 v5, $0x11;
	[tilespmem:v14+s18+$0x0] =	vst.idx.add.s32.msk $0xffff, v2  }
0x27d: {  	v16 =	vshra.s32 v9, $0x11;
	[tilespmem:v14+s19+$0x0] =	vst.idx.add.f32.msk $0xffff, v13  }
0x27e: {  	v14 =	vshra.s32 v8, $0x11;
	[tilespmem:v22+s18+$0x0] =	vst.idx.add.s32.msk $0xffff, v2  }
0x27f: {  	v11 =	vshra.s32 v7, $0x11;
	[tilespmem:v22+s19+$0x0] =	vst.idx.add.f32.msk $0xffff, v20  }
0x280: {  	v12 =	vshra.s32 v6, $0x11;
	[tilespmem:v23+s18+$0x0] =	vst.idx.add.s32.msk $0xffff, v2  }
0x281: {  	v13 =	vshra.s32 v4, $0x11;
	[tilespmem:v23+s19+$0x0] =	vst.idx.add.f32.msk $0xffff, v21  }
0x282: {  	v10 =	vshra.s32 v3, $0x11;
	[tilespmem:v24+s18+$0x0] =	vst.idx.add.s32.msk $0xffff, v2  }
.Ltmp6:
0x283: {  	[tilespmem:v25+s18+$0x0] =	vst.idx.add.s32.msk $0xffff, v2;
	(pc) =	sbr.rel @p0 .LBB2_14-.Ltmp6, $4  }
0x284: {  	[tilespmem:v24+s19+$0x0] =	vst.idx.add.f32.msk $0xffff, v19  }
0x285: {  	[tilespmem:v26+s18+$0x0] =	vst.idx.add.s32.msk $0xffff, v2  }
0x286: {  	[tilespmem:v25+s19+$0x0] =	vst.idx.add.f32.msk $0xffff, v18  }
0x287: {  	[tilespmem:v26+s19+$0x0] =	vst.idx.add.f32.msk $0xffff, v17  }
0x288: {  	_ =	sdelay $0x3  }
0x289: {  	[tilespmem:v15+s18+$0x0] =	vst.idx.add.s32.msk $0xffff, v2  }
0x28a: {  	[tilespmem:v16+s18+$0x0] =	vst.idx.add.s32.msk $0xffff, v2  }
0x28b: {  	[tilespmem:v14+s18+$0x0] =	vst.idx.add.s32.msk $0xffff, v2  }
0x28c: {  	[tilespmem:v11+s18+$0x0] =	vst.idx.add.s32.msk $0xffff, v2  }
0x28d: {  	[tilespmem:v12+s18+$0x0] =	vst.idx.add.s32.msk $0xffff, v2  }
0x28e: {  	[tilespmem:v13+s18+$0x0] =	vst.idx.add.s32.msk $0xffff, v2  }
0x28f: {  	[tilespmem:v10+s18+$0x0] =	vst.idx.add.s32.msk $0xffff, v2  }
0x290: {  	[tilespmem:v15+s19+$0x0] =	vst.idx.add.f32.msk $0xffff, v5  }
0x291: {  	[tilespmem:v16+s19+$0x0] =	vst.idx.add.f32.msk $0xffff, v9  }
0x292: {  	[tilespmem:v14+s19+$0x0] =	vst.idx.add.f32.msk $0xffff, v8  }
0x293: {  	[tilespmem:v11+s19+$0x0] =	vst.idx.add.f32.msk $0xffff, v7  }
0x294: {  	[tilespmem:v12+s19+$0x0] =	vst.idx.add.f32.msk $0xffff, v6  }
0x295: {  	[tilespmem:v13+s19+$0x0] =	vst.idx.add.f32.msk $0xffff, v4  }
0x296: {  	s22 =	simm.s32 $0x80;
	[tilespmem:v10+s19+$0x0] =	vst.idx.add.f32.msk $0xffff, v3  }
0x297: {  	[tilespmem:s16], [sflag:$0x2] =	stream.strided.gather [hbm4b:s10+s22], $0x4000, s15, s22, $0x38;
	[tilespmem:$0x18000] =	vst v63  }
0x298: {  	_ =	swait.ge [sflag:s17], $0x4000  }
0x299: {  	[sflag:s17] =	ssyncset.done $0x0  }
0x29a: {  	[sflag:s17] =	ssyncadd.s32 $0xFFFFC000  }
0x29b: {  	v5 =	vld [tilespmem:s22+$0xFFFFFFF0]  }
0x29c: {  	v17 =	vld [tilespmem:s22+$0x0]  }
0x29d: {  	v10 =	vld [tilespmem:s22+$0x10]  }
0x29e: {  	v11 =	vld [tilespmem:s22+$0x20]  }
0x29f: {  	v8 =	vld [tilespmem:s22+$0xFFFFFF80]  }
0x2a0: {  	v9 =	vld [tilespmem:s22+$0x70]  }
0x2a1: {  	v15 =	vld [tilespmem:s22+$0x50]  }
0x2a2: {  	v18 =	vld [tilespmem:s22+$0x30]  }
0x2a3: {  	v3 =	vld [tilespmem:s22+$0xFFFFFF90]  }
0x2a4: {  	v4 =	vld [tilespmem:s22+$0xFFFFFFA0];
	v12 =	vshra.s32 v8, $0x11  }
0x2a5: {  	v6 =	vld [tilespmem:s22+$0xFFFFFFB0];
	v14 =	vshra.s32 v9, $0x11  }
0x2a6: {  	v7 =	vld [tilespmem:s22+$0xFFFFFFC0];
	v19 =	vshra.s32 v15, $0x11  }
0x2a7: {  	v13 =	vld [tilespmem:s22+$0x60];
	v20 =	vshra.s32 v18, $0x11  }
0x2a8: {  	v16 =	vld [tilespmem:s22+$0x40]  }
0x2a9: {  	[tilespmem:v12+s18+$0x0] =	vst.idx.add.s32.msk $0xffff, v2  }
0x2aa: {  	[tilespmem:v14+s18+$0x0] =	vst.idx.add.s32.msk $0xffff, v2  }
0x2ab: {  	[tilespmem:v19+s18+$0x0] =	vst.idx.add.s32.msk $0xffff, v2  }
0x2ac: {  	[tilespmem:v20+s18+$0x0] =	vst.idx.add.s32.msk $0xffff, v2  }
0x2ad: {  	[tilespmem:v12+s19+$0x0] =	vst.idx.add.f32.msk $0xffff, v8  }
0x2ae: {  	v12 =	vshra.s32 v13, $0x11;
	[tilespmem:v14+s19+$0x0] =	vst.idx.add.f32.msk $0xffff, v9  }
0x2af: {  	v9 =	vld [tilespmem:s22+$0xFFFFFFE0]  }
0x2b0: {  	v14 =	vshra.s32 v16, $0x11;
	v8 =	vld [tilespmem:s22+$0xFFFFFFD0]  }
0x2b1: {  	[tilespmem:v19+s19+$0x0] =	vst.idx.add.f32.msk $0xffff, v15;
	v19 =	vshra.s32 v17, $0x11  }
0x2b2: {  	[tilespmem:v20+s19+$0x0] =	vst.idx.add.f32.msk $0xffff, v18  }
0x2b3: {  	[tilespmem:v12+s18+$0x0] =	vst.idx.add.s32.msk $0xffff, v2  }
0x2b4: {  	[tilespmem:v12+s19+$0x0] =	vst.idx.add.f32.msk $0xffff, v13;
	v12 =	vshra.s32 v11, $0x11  }
0x2b5: {  	[tilespmem:v14+s18+$0x0] =	vst.idx.add.s32.msk $0xffff, v2;
	v13 =	vshra.s32 v10, $0x11  }
0x2b6: {  	[tilespmem:v19+s18+$0x0] =	vst.idx.add.s32.msk $0xffff, v2  }
0x2b7: {  	[tilespmem:v14+s19+$0x0] =	vst.idx.add.f32.msk $0xffff, v16  }
0x2b8: {  	v15 =	vshra.s32 v5, $0x11;
	[tilespmem:v19+s19+$0x0] =	vst.idx.add.f32.msk $0xffff, v17  }
0x2b9: {  	v16 =	vshra.s32 v9, $0x11;
	[tilespmem:v12+s18+$0x0] =	vst.idx.add.s32.msk $0xffff, v2  }
0x2ba: {  	[tilespmem:v13+s18+$0x0] =	vst.idx.add.s32.msk $0xffff, v2  }
0x2bb: {  	v14 =	vshra.s32 v8, $0x11;
	[tilespmem:v12+s19+$0x0] =	vst.idx.add.f32.msk $0xffff, v11;
	v11 =	vshra.s32 v7, $0x11  }
0x2bc: {  	s23 =	simm.s32 $0x0;
	[tilespmem:v13+s19+$0x0] =	vst.idx.add.f32.msk $0xffff, v10;
	v12 =	vshra.s32 v6, $0x11;
	v13 =	vshra.s32 v4, $0x11;
	v10 =	vshra.s32 v3, $0x11  }
.LBB2_16:
0x2bd: {  	s23 =	sadd.s32 $0x10, s23;
	[tilespmem:v15+s18+$0x0] =	vst.idx.add.s32.msk $0xffff, v2;
	s22 =	sadd.s32 $0x100, s22  }
0x2be: {  	p0 =	slt.u32 s23, $0x3F0;
	[tilespmem:v16+s18+$0x0] =	vst.idx.add.s32.msk $0xffff, v2  }
0x2bf: {  	[tilespmem:v15+s19+$0x0] =	vst.idx.add.f32.msk $0xffff, v5  }
0x2c0: {  	[tilespmem:v16+s19+$0x0] =	vst.idx.add.f32.msk $0xffff, v9  }
0x2c1: {  	[tilespmem:v14+s18+$0x0] =	vst.idx.add.s32.msk $0xffff, v2  }
0x2c2: {  	[tilespmem:v11+s18+$0x0] =	vst.idx.add.s32.msk $0xffff, v2  }
0x2c3: {  	[tilespmem:v14+s19+$0x0] =	vst.idx.add.f32.msk $0xffff, v8  }
0x2c4: {  	[tilespmem:v12+s18+$0x0] =	vst.idx.add.s32.msk $0xffff, v2  }
0x2c5: {  	[tilespmem:v11+s19+$0x0] =	vst.idx.add.f32.msk $0xffff, v7  }
0x2c6: {  	[tilespmem:v13+s18+$0x0] =	vst.idx.add.s32.msk $0xffff, v2  }
0x2c7: {  	[tilespmem:v12+s19+$0x0] =	vst.idx.add.f32.msk $0xffff, v6  }
0x2c8: {  	[tilespmem:v13+s19+$0x0] =	vst.idx.add.f32.msk $0xffff, v4  }
0x2c9: {  	[tilespmem:v10+s18+$0x0] =	vst.idx.add.s32.msk $0xffff, v2  }
0x2ca: {  	[tilespmem:v10+s19+$0x0] =	vst.idx.add.f32.msk $0xffff, v3  }
0x2cb: {  	v5 =	vld [tilespmem:s22+$0xFFFFFFF0]  }
0x2cc: {  	v17 =	vld [tilespmem:s22+$0x0]  }
0x2cd: {  	v18 =	vld [tilespmem:s22+$0x10]  }
0x2ce: {  	v19 =	vld [tilespmem:s22+$0x20]  }
0x2cf: {  	v8 =	vld [tilespmem:s22+$0xFFFFFF80]  }
0x2d0: {  	v9 =	vld [tilespmem:s22+$0x70]  }
0x2d1: {  	v3 =	vld [tilespmem:s22+$0xFFFFFF90]  }
0x2d2: {  	v4 =	vld [tilespmem:s22+$0xFFFFFFA0]  }
0x2d3: {  	v6 =	vld [tilespmem:s22+$0xFFFFFFB0]  }
0x2d4: {  	v10 =	vshra.s32 v8, $0x11;
	v7 =	vld [tilespmem:s22+$0xFFFFFFC0]  }
0x2d5: {  	v11 =	vld [tilespmem:s22+$0x60];
	v12 =	vshra.s32 v9, $0x11  }
0x2d6: {  	v13 =	vld [tilespmem:s22+$0x50]  }
0x2d7: {  	v20 =	vld [tilespmem:s22+$0x40]  }
0x2d8: {  	v21 =	vld [tilespmem:s22+$0x30]  }
0x2d9: {  	[tilespmem:v10+s18+$0x0] =	vst.idx.add.s32.msk $0xffff, v2  }
0x2da: {  	[tilespmem:v10+s19+$0x0] =	vst.idx.add.f32.msk $0xffff, v8;
	v10 =	vshra.s32 v11, $0x11  }
0x2db: {  	v14 =	vshra.s32 v13, $0x11;
	[tilespmem:v12+s18+$0x0] =	vst.idx.add.s32.msk $0xffff, v2  }
0x2dc: {  	v22 =	vshra.s32 v20, $0x11;
	[tilespmem:v12+s19+$0x0] =	vst.idx.add.f32.msk $0xffff, v9  }
0x2dd: {  	v9 =	vld [tilespmem:s22+$0xFFFFFFE0];
	v23 =	vshra.s32 v21, $0x11  }
0x2de: {  	v24 =	vshra.s32 v19, $0x11;
	v8 =	vld [tilespmem:s22+$0xFFFFFFD0]  }
0x2df: {  	v25 =	vshra.s32 v18, $0x11;
	[tilespmem:v10+s18+$0x0] =	vst.idx.add.s32.msk $0xffff, v2  }
0x2e0: {  	v26 =	vshra.s32 v17, $0x11;
	[tilespmem:v10+s19+$0x0] =	vst.idx.add.f32.msk $0xffff, v11  }
0x2e1: {  	v15 =	vshra.s32 v5, $0x11;
	[tilespmem:v14+s18+$0x0] =	vst.idx.add.s32.msk $0xffff, v2  }
0x2e2: {  	v16 =	vshra.s32 v9, $0x11;
	[tilespmem:v14+s19+$0x0] =	vst.idx.add.f32.msk $0xffff, v13  }
0x2e3: {  	v14 =	vshra.s32 v8, $0x11;
	[tilespmem:v22+s18+$0x0] =	vst.idx.add.s32.msk $0xffff, v2  }
0x2e4: {  	v11 =	vshra.s32 v7, $0x11;
	[tilespmem:v22+s19+$0x0] =	vst.idx.add.f32.msk $0xffff, v20  }
0x2e5: {  	v12 =	vshra.s32 v6, $0x11;
	[tilespmem:v23+s18+$0x0] =	vst.idx.add.s32.msk $0xffff, v2  }
0x2e6: {  	v13 =	vshra.s32 v4, $0x11;
	[tilespmem:v23+s19+$0x0] =	vst.idx.add.f32.msk $0xffff, v21  }
0x2e7: {  	v10 =	vshra.s32 v3, $0x11;
	[tilespmem:v24+s18+$0x0] =	vst.idx.add.s32.msk $0xffff, v2  }
.Ltmp7:
0x2e8: {  	[tilespmem:v25+s18+$0x0] =	vst.idx.add.s32.msk $0xffff, v2;
	(pc) =	sbr.rel @p0 .LBB2_16-.Ltmp7, $4  }
0x2e9: {  	[tilespmem:v24+s19+$0x0] =	vst.idx.add.f32.msk $0xffff, v19  }
0x2ea: {  	[tilespmem:v26+s18+$0x0] =	vst.idx.add.s32.msk $0xffff, v2  }
0x2eb: {  	[tilespmem:v25+s19+$0x0] =	vst.idx.add.f32.msk $0xffff, v18  }
0x2ec: {  	[tilespmem:v26+s19+$0x0] =	vst.idx.add.f32.msk $0xffff, v17  }
0x2ed: {  	_ =	sdelay $0x3  }
0x2ee: {  	[tilespmem:v15+s18+$0x0] =	vst.idx.add.s32.msk $0xffff, v2  }
0x2ef: {  	[tilespmem:v16+s18+$0x0] =	vst.idx.add.s32.msk $0xffff, v2  }
0x2f0: {  	[tilespmem:v14+s18+$0x0] =	vst.idx.add.s32.msk $0xffff, v2  }
0x2f1: {  	[tilespmem:v11+s18+$0x0] =	vst.idx.add.s32.msk $0xffff, v2  }
0x2f2: {  	[tilespmem:v12+s18+$0x0] =	vst.idx.add.s32.msk $0xffff, v2  }
0x2f3: {  	[tilespmem:v13+s18+$0x0] =	vst.idx.add.s32.msk $0xffff, v2  }
0x2f4: {  	[tilespmem:v10+s18+$0x0] =	vst.idx.add.s32.msk $0xffff, v2  }
0x2f5: {  	[tilespmem:v15+s19+$0x0] =	vst.idx.add.f32.msk $0xffff, v5  }
0x2f6: {  	[tilespmem:v16+s19+$0x0] =	vst.idx.add.f32.msk $0xffff, v9  }
0x2f7: {  	[tilespmem:v14+s19+$0x0] =	vst.idx.add.f32.msk $0xffff, v8  }
0x2f8: {  	[tilespmem:v11+s19+$0x0] =	vst.idx.add.f32.msk $0xffff, v7  }
0x2f9: {  	[tilespmem:v12+s19+$0x0] =	vst.idx.add.f32.msk $0xffff, v6  }
0x2fa: {  	[tilespmem:v13+s19+$0x0] =	vst.idx.add.f32.msk $0xffff, v4  }
0x2fb: {  	[tilespmem:v10+s19+$0x0] =	vst.idx.add.f32.msk $0xffff, v3  }
0x2fc: {  	_ =	swait.ge [sflag:s20], $0x4000  }
0x2fd: {  	[sflag:s20] =	ssyncset.done $0x0  }
0x2fe: {  	s22 =	simm.s32 $0x4080;
	[sflag:s20] =	ssyncadd.s32 $0xFFFFC000  }
0x2ff: {  	v5 =	vld [tilespmem:s22+$0xFFFFFFF0]  }
0x300: {  	v17 =	vld [tilespmem:s22+$0x0]  }
0x301: {  	v10 =	vld [tilespmem:s22+$0x10]  }
0x302: {  	v11 =	vld [tilespmem:s22+$0x20]  }
0x303: {  	v8 =	vld [tilespmem:s22+$0xFFFFFF80]  }
0x304: {  	v9 =	vld [tilespmem:s22+$0x70]  }
0x305: {  	v15 =	vld [tilespmem:s22+$0x50]  }
0x306: {  	v18 =	vld [tilespmem:s22+$0x30]  }
0x307: {  	v3 =	vld [tilespmem:s22+$0xFFFFFF90]  }
0x308: {  	v4 =	vld [tilespmem:s22+$0xFFFFFFA0];
	v12 =	vshra.s32 v8, $0x11  }
0x309: {  	v6 =	vld [tilespmem:s22+$0xFFFFFFB0];
	v14 =	vshra.s32 v9, $0x11  }
0x30a: {  	v7 =	vld [tilespmem:s22+$0xFFFFFFC0];
	v19 =	vshra.s32 v15, $0x11  }
0x30b: {  	v13 =	vld [tilespmem:s22+$0x60];
	v20 =	vshra.s32 v18, $0x11  }
0x30c: {  	v16 =	vld [tilespmem:s22+$0x40]  }
0x30d: {  	[tilespmem:v12+s18+$0x0] =	vst.idx.add.s32.msk $0xffff, v2  }
0x30e: {  	[tilespmem:v14+s18+$0x0] =	vst.idx.add.s32.msk $0xffff, v2  }
0x30f: {  	[tilespmem:v19+s18+$0x0] =	vst.idx.add.s32.msk $0xffff, v2  }
0x310: {  	[tilespmem:v20+s18+$0x0] =	vst.idx.add.s32.msk $0xffff, v2  }
0x311: {  	[tilespmem:v12+s19+$0x0] =	vst.idx.add.f32.msk $0xffff, v8  }
0x312: {  	v12 =	vshra.s32 v13, $0x11;
	[tilespmem:v14+s19+$0x0] =	vst.idx.add.f32.msk $0xffff, v9  }
0x313: {  	v9 =	vld [tilespmem:s22+$0xFFFFFFE0]  }
0x314: {  	v14 =	vshra.s32 v16, $0x11;
	v8 =	vld [tilespmem:s22+$0xFFFFFFD0]  }
0x315: {  	[tilespmem:v19+s19+$0x0] =	vst.idx.add.f32.msk $0xffff, v15;
	v19 =	vshra.s32 v17, $0x11  }
0x316: {  	[tilespmem:v20+s19+$0x0] =	vst.idx.add.f32.msk $0xffff, v18  }
0x317: {  	[tilespmem:v12+s18+$0x0] =	vst.idx.add.s32.msk $0xffff, v2  }
0x318: {  	[tilespmem:v12+s19+$0x0] =	vst.idx.add.f32.msk $0xffff, v13;
	v12 =	vshra.s32 v11, $0x11  }
0x319: {  	[tilespmem:v14+s18+$0x0] =	vst.idx.add.s32.msk $0xffff, v2;
	v13 =	vshra.s32 v10, $0x11  }
0x31a: {  	[tilespmem:v19+s18+$0x0] =	vst.idx.add.s32.msk $0xffff, v2  }
0x31b: {  	[tilespmem:v14+s19+$0x0] =	vst.idx.add.f32.msk $0xffff, v16  }
0x31c: {  	v15 =	vshra.s32 v5, $0x11;
	[tilespmem:v19+s19+$0x0] =	vst.idx.add.f32.msk $0xffff, v17  }
0x31d: {  	v16 =	vshra.s32 v9, $0x11;
	[tilespmem:v12+s18+$0x0] =	vst.idx.add.s32.msk $0xffff, v2  }
0x31e: {  	[tilespmem:v13+s18+$0x0] =	vst.idx.add.s32.msk $0xffff, v2  }
0x31f: {  	v14 =	vshra.s32 v8, $0x11;
	[tilespmem:v12+s19+$0x0] =	vst.idx.add.f32.msk $0xffff, v11;
	v11 =	vshra.s32 v7, $0x11  }
0x320: {  	s23 =	simm.s32 $0x0;
	[tilespmem:v13+s19+$0x0] =	vst.idx.add.f32.msk $0xffff, v10;
	v12 =	vshra.s32 v6, $0x11;
	v13 =	vshra.s32 v4, $0x11;
	v10 =	vshra.s32 v3, $0x11  }
.LBB2_18:
0x321: {  	s23 =	sadd.s32 $0x10, s23;
	[tilespmem:v15+s18+$0x0] =	vst.idx.add.s32.msk $0xffff, v2;
	s22 =	sadd.s32 $0x100, s22  }
0x322: {  	p0 =	slt.u32 s23, $0x3F0;
	[tilespmem:v16+s18+$0x0] =	vst.idx.add.s32.msk $0xffff, v2  }
0x323: {  	[tilespmem:v15+s19+$0x0] =	vst.idx.add.f32.msk $0xffff, v5  }
0x324: {  	[tilespmem:v16+s19+$0x0] =	vst.idx.add.f32.msk $0xffff, v9  }
0x325: {  	[tilespmem:v14+s18+$0x0] =	vst.idx.add.s32.msk $0xffff, v2  }
0x326: {  	[tilespmem:v11+s18+$0x0] =	vst.idx.add.s32.msk $0xffff, v2  }
0x327: {  	[tilespmem:v14+s19+$0x0] =	vst.idx.add.f32.msk $0xffff, v8  }
0x328: {  	[tilespmem:v12+s18+$0x0] =	vst.idx.add.s32.msk $0xffff, v2  }
0x329: {  	[tilespmem:v11+s19+$0x0] =	vst.idx.add.f32.msk $0xffff, v7  }
0x32a: {  	[tilespmem:v13+s18+$0x0] =	vst.idx.add.s32.msk $0xffff, v2  }
0x32b: {  	[tilespmem:v12+s19+$0x0] =	vst.idx.add.f32.msk $0xffff, v6  }
0x32c: {  	[tilespmem:v13+s19+$0x0] =	vst.idx.add.f32.msk $0xffff, v4  }
0x32d: {  	[tilespmem:v10+s18+$0x0] =	vst.idx.add.s32.msk $0xffff, v2  }
0x32e: {  	[tilespmem:v10+s19+$0x0] =	vst.idx.add.f32.msk $0xffff, v3  }
0x32f: {  	v5 =	vld [tilespmem:s22+$0xFFFFFFF0]  }
0x330: {  	v17 =	vld [tilespmem:s22+$0x0]  }
0x331: {  	v18 =	vld [tilespmem:s22+$0x10]  }
0x332: {  	v19 =	vld [tilespmem:s22+$0x20]  }
0x333: {  	v8 =	vld [tilespmem:s22+$0xFFFFFF80]  }
0x334: {  	v9 =	vld [tilespmem:s22+$0x70]  }
0x335: {  	v3 =	vld [tilespmem:s22+$0xFFFFFF90]  }
0x336: {  	v4 =	vld [tilespmem:s22+$0xFFFFFFA0]  }
0x337: {  	v6 =	vld [tilespmem:s22+$0xFFFFFFB0]  }
0x338: {  	v10 =	vshra.s32 v8, $0x11;
	v7 =	vld [tilespmem:s22+$0xFFFFFFC0]  }
0x339: {  	v11 =	vld [tilespmem:s22+$0x60];
	v12 =	vshra.s32 v9, $0x11  }
0x33a: {  	v13 =	vld [tilespmem:s22+$0x50]  }
0x33b: {  	v20 =	vld [tilespmem:s22+$0x40]  }
0x33c: {  	v21 =	vld [tilespmem:s22+$0x30]  }
0x33d: {  	[tilespmem:v10+s18+$0x0] =	vst.idx.add.s32.msk $0xffff, v2  }
0x33e: {  	[tilespmem:v10+s19+$0x0] =	vst.idx.add.f32.msk $0xffff, v8;
	v10 =	vshra.s32 v11, $0x11  }
0x33f: {  	v14 =	vshra.s32 v13, $0x11;
	[tilespmem:v12+s18+$0x0] =	vst.idx.add.s32.msk $0xffff, v2  }
0x340: {  	v22 =	vshra.s32 v20, $0x11;
	[tilespmem:v12+s19+$0x0] =	vst.idx.add.f32.msk $0xffff, v9  }
0x341: {  	v9 =	vld [tilespmem:s22+$0xFFFFFFE0];
	v23 =	vshra.s32 v21, $0x11  }
0x342: {  	v24 =	vshra.s32 v19, $0x11;
	v8 =	vld [tilespmem:s22+$0xFFFFFFD0]  }
0x343: {  	v25 =	vshra.s32 v18, $0x11;
	[tilespmem:v10+s18+$0x0] =	vst.idx.add.s32.msk $0xffff, v2  }
0x344: {  	v26 =	vshra.s32 v17, $0x11;
	[tilespmem:v10+s19+$0x0] =	vst.idx.add.f32.msk $0xffff, v11  }
0x345: {  	v15 =	vshra.s32 v5, $0x11;
	[tilespmem:v14+s18+$0x0] =	vst.idx.add.s32.msk $0xffff, v2  }
0x346: {  	v16 =	vshra.s32 v9, $0x11;
	[tilespmem:v14+s19+$0x0] =	vst.idx.add.f32.msk $0xffff, v13  }
0x347: {  	v14 =	vshra.s32 v8, $0x11;
	[tilespmem:v22+s18+$0x0] =	vst.idx.add.s32.msk $0xffff, v2  }
0x348: {  	v11 =	vshra.s32 v7, $0x11;
	[tilespmem:v22+s19+$0x0] =	vst.idx.add.f32.msk $0xffff, v20  }
0x349: {  	v12 =	vshra.s32 v6, $0x11;
	[tilespmem:v23+s18+$0x0] =	vst.idx.add.s32.msk $0xffff, v2  }
0x34a: {  	v13 =	vshra.s32 v4, $0x11;
	[tilespmem:v23+s19+$0x0] =	vst.idx.add.f32.msk $0xffff, v21  }
0x34b: {  	v10 =	vshra.s32 v3, $0x11;
	[tilespmem:v24+s18+$0x0] =	vst.idx.add.s32.msk $0xffff, v2  }
.Ltmp8:
0x34c: {  	[tilespmem:v25+s18+$0x0] =	vst.idx.add.s32.msk $0xffff, v2;
	(pc) =	sbr.rel @p0 .LBB2_18-.Ltmp8, $4  }
0x34d: {  	[tilespmem:v24+s19+$0x0] =	vst.idx.add.f32.msk $0xffff, v19  }
0x34e: {  	[tilespmem:v26+s18+$0x0] =	vst.idx.add.s32.msk $0xffff, v2  }
0x34f: {  	[tilespmem:v25+s19+$0x0] =	vst.idx.add.f32.msk $0xffff, v18  }
0x350: {  	[tilespmem:v26+s19+$0x0] =	vst.idx.add.f32.msk $0xffff, v17  }
0x351: {  	_ =	sdelay $0x3  }
0x352: {  	[tilespmem:v15+s18+$0x0] =	vst.idx.add.s32.msk $0xffff, v2  }
0x353: {  	[tilespmem:v16+s18+$0x0] =	vst.idx.add.s32.msk $0xffff, v2  }
0x354: {  	[tilespmem:v14+s18+$0x0] =	vst.idx.add.s32.msk $0xffff, v2  }
0x355: {  	[tilespmem:v11+s18+$0x0] =	vst.idx.add.s32.msk $0xffff, v2  }
0x356: {  	[tilespmem:v12+s18+$0x0] =	vst.idx.add.s32.msk $0xffff, v2  }
0x357: {  	[tilespmem:v13+s18+$0x0] =	vst.idx.add.s32.msk $0xffff, v2  }
0x358: {  	[tilespmem:v10+s18+$0x0] =	vst.idx.add.s32.msk $0xffff, v2  }
0x359: {  	[tilespmem:v15+s19+$0x0] =	vst.idx.add.f32.msk $0xffff, v5  }
0x35a: {  	[tilespmem:v16+s19+$0x0] =	vst.idx.add.f32.msk $0xffff, v9  }
0x35b: {  	[tilespmem:v14+s19+$0x0] =	vst.idx.add.f32.msk $0xffff, v8  }
0x35c: {  	[tilespmem:v11+s19+$0x0] =	vst.idx.add.f32.msk $0xffff, v7  }
0x35d: {  	[tilespmem:v12+s19+$0x0] =	vst.idx.add.f32.msk $0xffff, v6  }
0x35e: {  	[tilespmem:v13+s19+$0x0] =	vst.idx.add.f32.msk $0xffff, v4  }
0x35f: {  	[tilespmem:v10+s19+$0x0] =	vst.idx.add.f32.msk $0xffff, v3  }
0x360: {  	[hbm4b:s11+s14] =	stream.strided.scatter [tilespmem:s18], [sflag:$0x1], $0x8000, s15, s14, $0x38;
	[tilespmem:$0x18000] =	vst v63  }
0x361: {  	s21 =	sadd.s32 $0x1, s21  }
0x362: {  	[hbm4b:s12+s14] =	stream.strided.scatter [tilespmem:s19], [sflag:$0x2], $0x8000, s15, s14, $0x38;
	[tilespmem:$0x18000] =	vst v63  }
0x363: {  	p0 =	sne.s32 s21, s13;
	_ =	swait.ge [sflag:s17], $0x8000  }
.Ltmp9:
0x364: {  	[sflag:s17] =	ssyncset.done $0x0;
	(pc) =	sbr.rel @p0 .LBB2_1-.Ltmp9, $4  }
0x365: {  	[sflag:s17] =	ssyncadd.s32 $0xFFFF8000  }
0x366: {  	_ =	swait.ge [sflag:s20], $0x8000  }
0x367: {  	[sflag:s20] =	ssyncset.done $0x0  }
0x368: {  	[sflag:s20] =	ssyncadd.s32 $0xFFFF8000  }
0x369: {  	_ =	sfence.sel $0x180000  }
0x36a: {  	[bflag:$0x0] =	sbarrier.arrive $0xFFFF  }
0x36b: {  	p0 =	sne.s32 s0, $0x0;
	_ =	strace $0x90000047  }
0x36c: {  	s0 =	sadd.s32 @!p0 $0x100000, s1;
	[bflag:$0x2] =	sbarrier.arrive $0xFFFF  }
0x36d: {  	[sflag:s0] =	ssyncadd.tile.s32 @!p0 $0x1;
	_ =	shalt  }
.Lfunc_end2:
_tile_overlayer_lowered:
.L_overlay_start_2:
0x36e: {  	(tag) =	ssettag $0x2  }
0x36f: {  	s0 =	rddreg [dreg:$0x0];
	s2 =	stileid.u32  }
0x370: {  	s1 =	rddreg [dreg:$0x1];
	p0 =	sne.s32 s2, $0x0  }
0x371: {  	s3 =	rddreg [dreg:$0x2];
	[bflag:$0x3] =	sbarrier.arrive $0xFFFF;
	s2 =	simm.s32 @!p0 $0x1C03  }
0x372: {  	[timem:s3], [sflag:s2] =	dma.local @!p0 [hbm:s0], s1  }
0x373: {  	s0 =	simm.s32 @!p0 $0x3  }
0x374: {  	_ =	swait.ge @!p0 [sflag:s0], s1  }
0x375: {  	s1 =	ssub.s32 @!p0 $0x0, s1;
	[sflag:s0] =	ssyncset.done @!p0 $0x0  }
0x376: {  	[sflag:s0] =	ssyncadd.s32 @!p0 s1  }
0x377: {  	[bflag:$0x3] =	sbarrier.arrive $0xFFFF  }
0x378: {  	_ =	shalt  }

</sc_bundles>
